<compile_context>
chip_gen: v7x
topology: tpu7x:2x2x1
jax: 0.10.2.dev20260603
libtpu: 0.0.44.dev20260713+nightly
codegen_flags: <defaults>
</compile_context>

<pallas_src>
import functools

import jax
import jax.numpy as jnp
from jax import lax
from jax.experimental import pallas as pl
from jax.experimental.pallas import tpu as pltpu
from jax.experimental.pallas import tpu_sc as plsc

B = 16384
D = 128
NC = 2
NS = 16
NW = NC * NS
BPW = B // NW
CH = 64
NCHUNK = BPW // CH
NBUF = 4
LOOKAHEAD = 3
NSL = D // 16



def _sc_dot_body(o_hbm, idx_hbm, conf_hbm, out_hbm,
                 idx_v, c0_v, c1_v, c2_v, c3_v, o0_v, o1_v, o2_v, o3_v, acc_v,
                 sem_i, sem_c0, sem_c1, sem_c2, sem_c3,
                 sem_o0, sem_o1, sem_o2, sem_o3):
    wid = lax.axis_index("s") * NC + lax.axis_index("c")
    base = wid * BPW

    c_bufs = (c0_v, c1_v, c2_v, c3_v)
    o_bufs = (o0_v, o1_v, o2_v, o3_v)
    c_sems = (sem_c0, sem_c1, sem_c2, sem_c3)
    o_sems = (sem_o0, sem_o1, sem_o2, sem_o3)

    def issue_o(t):
        b = t % NBUF
        return pltpu.async_copy(
            o_hbm.at[pl.ds(base + t * CH, CH)], o_bufs[b], o_sems[b])

    def issue_c(t):
        b = t % NBUF
        return pltpu.async_copy(
            conf_hbm.at[idx_v.at[pl.ds(t * CH, CH)]], c_bufs[b], c_sems[b])

    idx_cp = pltpu.async_copy(idx_hbm.at[pl.ds(base, BPW)], idx_v, sem_i)
    o_cps = [issue_o(k) for k in range(LOOKAHEAD)]
    idx_cp.wait()
    c_cps = [issue_c(k) for k in range(LOOKAHEAD)]

    accs = tuple(jnp.zeros((16,), jnp.float32) for _ in range(NSL))
    for t in range(NCHUNK):
        c_cps[t].wait()
        o_cps[t].wait()
        if t + LOOKAHEAD < NCHUNK:
            c_cps.append(issue_c(t + LOOKAHEAD))
            o_cps.append(issue_o(t + LOOKAHEAD))
        c_v = c_bufs[t % NBUF]
        o_v = o_bufs[t % NBUF]

        def row_body(r, a):
            return tuple(
                a[j] + c_v[r, pl.ds(j * 16, 16)] * o_v[r, pl.ds(j * 16, 16)]
                for j in range(NSL))

        accs = plsc.parallel_loop(0, CH, step=1, unroll=8, carry=accs)(row_body)

    total = accs[0]
    for j in range(1, NSL):
        total = total + accs[j]
    acc_v[...] = total
    pltpu.sync_copy(acc_v, out_hbm.at[wid])


_sc_dot = functools.partial(
    pl.kernel,
    out_type=jax.ShapeDtypeStruct((NW, 16), jnp.float32),
    mesh=plsc.VectorSubcoreMesh(core_axis_name="c", subcore_axis_name="s"),
    scratch_types=[
        pltpu.VMEM((BPW,), jnp.int32),
        pltpu.VMEM((CH, D), jnp.float32),
        pltpu.VMEM((CH, D), jnp.float32),
        pltpu.VMEM((CH, D), jnp.float32),
        pltpu.VMEM((CH, D), jnp.float32),
        pltpu.VMEM((CH, D), jnp.float32),
        pltpu.VMEM((CH, D), jnp.float32),
        pltpu.VMEM((CH, D), jnp.float32),
        pltpu.VMEM((CH, D), jnp.float32),
        pltpu.VMEM((16,), jnp.float32),
        pltpu.SemaphoreType.DMA,
        pltpu.SemaphoreType.DMA,
        pltpu.SemaphoreType.DMA,
        pltpu.SemaphoreType.DMA,
        pltpu.SemaphoreType.DMA,
        pltpu.SemaphoreType.DMA,
        pltpu.SemaphoreType.DMA,
        pltpu.SemaphoreType.DMA,
        pltpu.SemaphoreType.DMA,
    ],
)(_sc_dot_body)



ROWS_PER_STEP = 8192
GRID = B // ROWS_PER_STEP


def _lse_body(x_ref, out_ref):
    i = pl.program_id(0)

    @pl.when(i == 0)
    def _init():
        out_ref[0, 0] = 0.0

    x = x_ref[...]
    m = jnp.max(x, axis=1, keepdims=True)
    s = jnp.sum(jnp.exp(x - m), axis=1)
    out_ref[0, 0] += jnp.sum(m[:, 0] + jnp.log(s))


_sum_lse = pl.pallas_call(
    _lse_body,
    grid=(GRID,),
    in_specs=[pl.BlockSpec((ROWS_PER_STEP, D), lambda i: (i, 0))],
    out_specs=pl.BlockSpec((1, 1), lambda i: (0, 0), memory_space=pltpu.SMEM),
    out_shape=jax.ShapeDtypeStruct((1, 1), jnp.float32),
)


def kernel(outputs, index, confidence):
    idx = index.astype(jnp.int32)
    parts = _sc_dot(outputs, idx, confidence)
    sum_lse = _sum_lse(outputs)
    return (sum_lse[0, 0] - jnp.sum(parts)) / jnp.float32(B)

# --- scband reference (transcript-rebuilt; emitter-appended) ---
"""Pipeline reference for scband-partial-loss-44590350467567 (READ-ONLY COPY).

The authoritative reference and input builder live on the scoring server;
editing this copy changes nothing except your own understanding.
"""

import jax, jax.numpy as jnp
import numpy as np


def setup_inputs(seed: int = 0) -> dict:
    key = jax.random.key(seed)
    k1, k2, k3 = jax.random.split(key, 3)
    outputs = jax.random.normal(k1, (16384, 128), dtype=jnp.float32)
    index = jax.random.randint(k2, (16384,), 0, 100000)
    confidence = jax.random.uniform(k3, (100000, 128), dtype=jnp.float32)
    # confidences act like per-sample label distributions; normalize rows
    confidence = confidence / jnp.sum(confidence, axis=1, keepdims=True)
    return {"outputs": outputs, "index": index, "confidence": confidence}


def reference(outputs, index, confidence):
    # PartialLoss.forward
    logsm_outputs = jax.nn.log_softmax(outputs, axis=1)
    final_outputs = logsm_outputs * confidence[index, :]
    average_loss = -jnp.sum(final_outputs, axis=1).mean()
    return average_loss

if __name__ == "__main__":
    import jax
    _d = setup_inputs()
    print(jax.jit(kernel)(*tuple(_d.values())))

</pallas_src>

<mosaic_0001>
#map = affine_map<(d0, d1) -> (0, 0)>
#map1 = affine_map<(d0, d1) -> (0)>
module attributes {stable_mosaic.version = 14 : i64} {
  func.func @_sc_dot_body(%arg0: i32, %arg1: i32, %arg2: memref<16384x128xf32, #tpu.memory_space<hbm>>, %arg3: memref<16384xi32, #tpu.memory_space<hbm>>, %arg4: memref<100000x128xf32, #tpu.memory_space<hbm>>, %arg5: memref<32x16xf32, #tpu.memory_space<hbm>>, %arg6: memref<512xi32, #tpu.memory_space<vmem>>, %arg7: memref<64x128xf32, #tpu.memory_space<vmem>>, %arg8: memref<64x128xf32, #tpu.memory_space<vmem>>, %arg9: memref<64x128xf32, #tpu.memory_space<vmem>>, %arg10: memref<64x128xf32, #tpu.memory_space<vmem>>, %arg11: memref<64x128xf32, #tpu.memory_space<vmem>>, %arg12: memref<64x128xf32, #tpu.memory_space<vmem>>, %arg13: memref<64x128xf32, #tpu.memory_space<vmem>>, %arg14: memref<64x128xf32, #tpu.memory_space<vmem>>, %arg15: memref<16xf32, #tpu.memory_space<vmem>>, %arg16: memref<!tpu.dma_semaphore, #tpu.memory_space<semaphore_mem>>, %arg17: memref<!tpu.dma_semaphore, #tpu.memory_space<semaphore_mem>>, %arg18: memref<!tpu.dma_semaphore, #tpu.memory_space<semaphore_mem>>, %arg19: memref<!tpu.dma_semaphore, #tpu.memory_space<semaphore_mem>>, %arg20: memref<!tpu.dma_semaphore, #tpu.memory_space<semaphore_mem>>, %arg21: memref<!tpu.dma_semaphore, #tpu.memory_space<semaphore_mem>>, %arg22: memref<!tpu.dma_semaphore, #tpu.memory_space<semaphore_mem>>, %arg23: memref<!tpu.dma_semaphore, #tpu.memory_space<semaphore_mem>>, %arg24: memref<!tpu.dma_semaphore, #tpu.memory_space<semaphore_mem>>) attributes {dimension_semantics = [#tpu.dimension_semantics<core_parallel>, #tpu.dimension_semantics<subcore_parallel>], iteration_bounds = array<i64: 2, 16>, scalar_prefetch = 0 : i64, scratch_operands = 19 : i64, tpu.core_type = #tpu.core_type<sc_vector_subcore>, window_params = [{transform_indices = #map}, {transform_indices = #map1}, {transform_indices = #map}, {transform_indices = #map}]} {
    %mul3A = arith.constant 2 : i32
    %mul3A_0 = arith.muli %arg1, %mul3A : i32
    %add3A = arith.addi %mul3A_0, %arg0 : i32
    %mul3A_1 = arith.constant 512 : i32
    %mul3A_2 = arith.muli %add3A, %mul3A_1 : i32
    %dma_start3A = tpu.memref_slice %arg3[%mul3A_2] : memref<16384xi32, #tpu.memory_space<hbm>> -> memref<512xi32, #tpu.memory_space<hbm>>
    %dma_start3A_3 = tpu.memref_slice %arg3[%mul3A_2] : memref<16384xi32, #tpu.memory_space<hbm>> -> memref<512xi32, #tpu.memory_space<hbm>>
    tpu.enqueue_dma source(%dma_start3A_3 : memref<512xi32, #tpu.memory_space<hbm>>) target(%arg6 : memref<512xi32, #tpu.memory_space<vmem>>) target_semaphore(%arg16 : memref<!tpu.dma_semaphore, #tpu.memory_space<semaphore_mem>>)
    %add3A_4 = arith.constant 0 : i32
    %add3A_5 = arith.addi %mul3A_2, %add3A_4 : i32
    %dma_start3A_6 = arith.constant 0 : i32
    %dma_start3A_7 = tpu.memref_slice %arg2[%add3A_5, %dma_start3A_6] : memref<16384x128xf32, #tpu.memory_space<hbm>> -> memref<64x128xf32, #tpu.memory_space<hbm>>
    %dma_start3A_8 = arith.constant 0 : i32
    %dma_start3A_9 = tpu.memref_slice %arg2[%add3A_5, %dma_start3A_8] : memref<16384x128xf32, #tpu.memory_space<hbm>> -> memref<64x128xf32, #tpu.memory_space<hbm>>
    tpu.enqueue_dma source(%dma_start3A_9 : memref<64x128xf32, #tpu.memory_space<hbm>>) target(%arg11 : memref<64x128xf32, #tpu.memory_space<vmem>>) target_semaphore(%arg21 : memref<!tpu.dma_semaphore, #tpu.memory_space<semaphore_mem>>)
    %add3A_10 = arith.constant 64 : i32
    %add3A_11 = arith.addi %mul3A_2, %add3A_10 : i32
    %dma_start3A_12 = arith.constant 0 : i32
    %dma_start3A_13 = tpu.memref_slice %arg2[%add3A_11, %dma_start3A_12] : memref<16384x128xf32, #tpu.memory_space<hbm>> -> memref<64x128xf32, #tpu.memory_space<hbm>>
    %dma_start3A_14 = arith.constant 0 : i32
    %dma_start3A_15 = tpu.memref_slice %arg2[%add3A_11, %dma_start3A_14] : memref<16384x128xf32, #tpu.memory_space<hbm>> -> memref<64x128xf32, #tpu.memory_space<hbm>>
    tpu.enqueue_dma source(%dma_start3A_15 : memref<64x128xf32, #tpu.memory_space<hbm>>) target(%arg12 : memref<64x128xf32, #tpu.memory_space<vmem>>) target_semaphore(%arg22 : memref<!tpu.dma_semaphore, #tpu.memory_space<semaphore_mem>>)
    %add3A_16 = arith.constant 128 : i32
    %add3A_17 = arith.addi %mul3A_2, %add3A_16 : i32
    %dma_start3A_18 = arith.constant 0 : i32
    %dma_start3A_19 = tpu.memref_slice %arg2[%add3A_17, %dma_start3A_18] : memref<16384x128xf32, #tpu.memory_space<hbm>> -> memref<64x128xf32, #tpu.memory_space<hbm>>
    %dma_start3A_20 = arith.constant 0 : i32
    %dma_start3A_21 = tpu.memref_slice %arg2[%add3A_17, %dma_start3A_20] : memref<16384x128xf32, #tpu.memory_space<hbm>> -> memref<64x128xf32, #tpu.memory_space<hbm>>
    tpu.enqueue_dma source(%dma_start3A_21 : memref<64x128xf32, #tpu.memory_space<hbm>>) target(%arg13 : memref<64x128xf32, #tpu.memory_space<vmem>>) target_semaphore(%arg23 : memref<!tpu.dma_semaphore, #tpu.memory_space<semaphore_mem>>)
    %dma_wait3A = tpu.memref_slice %arg3[%mul3A_2] : memref<16384xi32, #tpu.memory_space<hbm>> -> memref<512xi32, #tpu.memory_space<hbm>>
    %dma_wait3A_22 = tpu.memref_slice %arg3[%mul3A_2] : memref<16384xi32, #tpu.memory_space<hbm>> -> memref<512xi32, #tpu.memory_space<hbm>>
    tpu.wait_dma2 semaphore(%arg16 : memref<!tpu.dma_semaphore, #tpu.memory_space<semaphore_mem>>) src(%dma_wait3A_22 : memref<512xi32, #tpu.memory_space<hbm>>) dst(%arg6 : memref<512xi32, #tpu.memory_space<vmem>>)
    %dma_start3A_23 = arith.constant 0 : i32
    %dma_start3A_24 = tpu.memref_slice %arg6[%dma_start3A_23] : memref<512xi32, #tpu.memory_space<vmem>> -> memref<64xi32, #tpu.memory_space<vmem>>
    %dma_start3A_25 = arith.constant 0 : i32
    %dma_start3A_26 = arith.constant 0 : i32
    %dma_start3A_27 = tpu.memref_slice %arg4[%dma_start3A_25, %dma_start3A_26] : memref<100000x128xf32, #tpu.memory_space<hbm>> -> memref<100000x128xf32, #tpu.memory_space<hbm>>
    tpu.enqueue_indirect_dma source(%dma_start3A_27 : memref<100000x128xf32, #tpu.memory_space<hbm>>) target(%arg7 : memref<64x128xf32, #tpu.memory_space<vmem>>) offsets(%dma_start3A_24 : memref<64xi32, #tpu.memory_space<vmem>>) semaphore(%arg17 : memref<!tpu.dma_semaphore, #tpu.memory_space<semaphore_mem>>)
    %dma_start3A_28 = arith.constant 64 : i32
    %dma_start3A_29 = tpu.memref_slice %arg6[%dma_start3A_28] : memref<512xi32, #tpu.memory_space<vmem>> -> memref<64xi32, #tpu.memory_space<vmem>>
    %dma_start3A_30 = arith.constant 0 : i32
    %dma_start3A_31 = arith.constant 0 : i32
    %dma_start3A_32 = tpu.memref_slice %arg4[%dma_start3A_30, %dma_start3A_31] : memref<100000x128xf32, #tpu.memory_space<hbm>> -> memref<100000x128xf32, #tpu.memory_space<hbm>>
    tpu.enqueue_indirect_dma source(%dma_start3A_32 : memref<100000x128xf32, #tpu.memory_space<hbm>>) target(%arg8 : memref<64x128xf32, #tpu.memory_space<vmem>>) offsets(%dma_start3A_29 : memref<64xi32, #tpu.memory_space<vmem>>) semaphore(%arg18 : memref<!tpu.dma_semaphore, #tpu.memory_space<semaphore_mem>>)
    %dma_start3A_33 = arith.constant 128 : i32
    %dma_start3A_34 = tpu.memref_slice %arg6[%dma_start3A_33] : memref<512xi32, #tpu.memory_space<vmem>> -> memref<64xi32, #tpu.memory_space<vmem>>
    %dma_start3A_35 = arith.constant 0 : i32
    %dma_start3A_36 = arith.constant 0 : i32
    %dma_start3A_37 = tpu.memref_slice %arg4[%dma_start3A_35, %dma_start3A_36] : memref<100000x128xf32, #tpu.memory_space<hbm>> -> memref<100000x128xf32, #tpu.memory_space<hbm>>
    tpu.enqueue_indirect_dma source(%dma_start3A_37 : memref<100000x128xf32, #tpu.memory_space<hbm>>) target(%arg9 : memref<64x128xf32, #tpu.memory_space<vmem>>) offsets(%dma_start3A_34 : memref<64xi32, #tpu.memory_space<vmem>>) semaphore(%arg19 : memref<!tpu.dma_semaphore, #tpu.memory_space<semaphore_mem>>)
    %broadcast_in_dim3A = arith.constant 0.000000e+00 : f32
    %broadcast_in_dim3A_38 = vector.broadcast %broadcast_in_dim3A : f32 to vector<16xf32>
    %broadcast_in_dim3A_39 = arith.constant 0.000000e+00 : f32
    %broadcast_in_dim3A_40 = vector.broadcast %broadcast_in_dim3A_39 : f32 to vector<16xf32>
    %broadcast_in_dim3A_41 = arith.constant 0.000000e+00 : f32
    %broadcast_in_dim3A_42 = vector.broadcast %broadcast_in_dim3A_41 : f32 to vector<16xf32>
    %broadcast_in_dim3A_43 = arith.constant 0.000000e+00 : f32
    %broadcast_in_dim3A_44 = vector.broadcast %broadcast_in_dim3A_43 : f32 to vector<16xf32>
    %broadcast_in_dim3A_45 = arith.constant 0.000000e+00 : f32
    %broadcast_in_dim3A_46 = vector.broadcast %broadcast_in_dim3A_45 : f32 to vector<16xf32>
    %broadcast_in_dim3A_47 = arith.constant 0.000000e+00 : f32
    %broadcast_in_dim3A_48 = vector.broadcast %broadcast_in_dim3A_47 : f32 to vector<16xf32>
    %broadcast_in_dim3A_49 = arith.constant 0.000000e+00 : f32
    %broadcast_in_dim3A_50 = vector.broadcast %broadcast_in_dim3A_49 : f32 to vector<16xf32>
    %broadcast_in_dim3A_51 = arith.constant 0.000000e+00 : f32
    %broadcast_in_dim3A_52 = vector.broadcast %broadcast_in_dim3A_51 : f32 to vector<16xf32>
    %dma_wait3A_53 = arith.constant 0 : i32
    %dma_wait3A_54 = tpu.memref_slice %arg6[%dma_wait3A_53] : memref<512xi32, #tpu.memory_space<vmem>> -> memref<64xi32, #tpu.memory_space<vmem>>
    %dma_wait3A_55 = arith.constant 0 : i32
    %dma_wait3A_56 = arith.constant 0 : i32
    %dma_wait3A_57 = tpu.memref_slice %arg4[%dma_wait3A_55, %dma_wait3A_56] : memref<100000x128xf32, #tpu.memory_space<hbm>> -> memref<100000x128xf32, #tpu.memory_space<hbm>>
    tpu.wait_indirect_dma semaphore(%arg17 : memref<!tpu.dma_semaphore, #tpu.memory_space<semaphore_mem>>) src(%dma_wait3A_57 : memref<100000x128xf32, #tpu.memory_space<hbm>>) dst(%arg7 : memref<64x128xf32, #tpu.memory_space<vmem>>)
    %dma_wait3A_58 = arith.constant 0 : i32
    %dma_wait3A_59 = tpu.memref_slice %arg2[%add3A_5, %dma_wait3A_58] : memref<16384x128xf32, #tpu.memory_space<hbm>> -> memref<64x128xf32, #tpu.memory_space<hbm>>
    %dma_wait3A_60 = arith.constant 0 : i32
    %dma_wait3A_61 = tpu.memref_slice %arg2[%add3A_5, %dma_wait3A_60] : memref<16384x128xf32, #tpu.memory_space<hbm>> -> memref<64x128xf32, #tpu.memory_space<hbm>>
    tpu.wait_dma2 semaphore(%arg21 : memref<!tpu.dma_semaphore, #tpu.memory_space<semaphore_mem>>) src(%dma_wait3A_61 : memref<64x128xf32, #tpu.memory_space<hbm>>) dst(%arg11 : memref<64x128xf32, #tpu.memory_space<vmem>>)
    %dma_start3A_62 = arith.constant 192 : i32
    %dma_start3A_63 = tpu.memref_slice %arg6[%dma_start3A_62] : memref<512xi32, #tpu.memory_space<vmem>> -> memref<64xi32, #tpu.memory_space<vmem>>
    %dma_start3A_64 = arith.constant 0 : i32
    %dma_start3A_65 = arith.constant 0 : i32
    %dma_start3A_66 = tpu.memref_slice %arg4[%dma_start3A_64, %dma_start3A_65] : memref<100000x128xf32, #tpu.memory_space<hbm>> -> memref<100000x128xf32, #tpu.memory_space<hbm>>
    tpu.enqueue_indirect_dma source(%dma_start3A_66 : memref<100000x128xf32, #tpu.memory_space<hbm>>) target(%arg10 : memref<64x128xf32, #tpu.memory_space<vmem>>) offsets(%dma_start3A_63 : memref<64xi32, #tpu.memory_space<vmem>>) semaphore(%arg20 : memref<!tpu.dma_semaphore, #tpu.memory_space<semaphore_mem>>)
    %add3A_67 = arith.constant 192 : i32
    %add3A_68 = arith.addi %mul3A_2, %add3A_67 : i32
    %dma_start3A_69 = arith.constant 0 : i32
    %dma_start3A_70 = tpu.memref_slice %arg2[%add3A_68, %dma_start3A_69] : memref<16384x128xf32, #tpu.memory_space<hbm>> -> memref<64x128xf32, #tpu.memory_space<hbm>>
    %dma_start3A_71 = arith.constant 0 : i32
    %dma_start3A_72 = tpu.memref_slice %arg2[%add3A_68, %dma_start3A_71] : memref<16384x128xf32, #tpu.memory_space<hbm>> -> memref<64x128xf32, #tpu.memory_space<hbm>>
    tpu.enqueue_dma source(%dma_start3A_72 : memref<64x128xf32, #tpu.memory_space<hbm>>) target(%arg14 : memref<64x128xf32, #tpu.memory_space<vmem>>) target_semaphore(%arg24 : memref<!tpu.dma_semaphore, #tpu.memory_space<semaphore_mem>>)
    %parallel_loop3A = arith.constant 0 : i32
    %parallel_loop3A_73 = arith.constant 64 : i32
    %parallel_loop3A_74 = arith.constant 1 : i32
    %parallel_loop3A_75:8 = scf.for %parallel_loop3A_221 = %parallel_loop3A to %parallel_loop3A_73 step %parallel_loop3A_74 iter_args(%parallel_loop3A_222 = %broadcast_in_dim3A_38, %parallel_loop3A_223 = %broadcast_in_dim3A_40, %parallel_loop3A_224 = %broadcast_in_dim3A_42, %parallel_loop3A_225 = %broadcast_in_dim3A_44, %parallel_loop3A_226 = %broadcast_in_dim3A_46, %parallel_loop3A_227 = %broadcast_in_dim3A_48, %parallel_loop3A_228 = %broadcast_in_dim3A_50, %parallel_loop3A_229 = %broadcast_in_dim3A_52) -> (vector<16xf32>, vector<16xf32>, vector<16xf32>, vector<16xf32>, vector<16xf32>, vector<16xf32>, vector<16xf32>, vector<16xf32>)  : i32 {
      %parallel_loop3A_230 = arith.index_cast %parallel_loop3A_221 : i32 to index
      %parallel_loop3A_231 = arith.constant 0 : index
      %parallel_loop3A_232 = tpu.vector_load %arg7[%parallel_loop3A_230, %parallel_loop3A_231] {strides = array<i32>} : memref<64x128xf32, #tpu.memory_space<vmem>>, vector<1x16xf32>,
      %parallel_loop3A_233 = vector.shape_cast %parallel_loop3A_232 : vector<1x16xf32> to vector<16xf32>
      %parallel_loop3A_234 = arith.index_cast %parallel_loop3A_221 : i32 to index
      %parallel_loop3A_235 = arith.constant 0 : index
      %parallel_loop3A_236 = tpu.vector_load %arg11[%parallel_loop3A_234, %parallel_loop3A_235] {strides = array<i32>} : memref<64x128xf32, #tpu.memory_space<vmem>>, vector<1x16xf32>,
      %parallel_loop3A_237 = vector.shape_cast %parallel_loop3A_236 : vector<1x16xf32> to vector<16xf32>
      %parallel_loop3A_238 = arith.mulf %parallel_loop3A_233, %parallel_loop3A_237 : vector<16xf32>
      %parallel_loop3A_239 = arith.addf %parallel_loop3A_222, %parallel_loop3A_238 : vector<16xf32>
      %parallel_loop3A_240 = arith.index_cast %parallel_loop3A_221 : i32 to index
      %parallel_loop3A_241 = arith.constant 16 : index
      %parallel_loop3A_242 = tpu.vector_load %arg7[%parallel_loop3A_240, %parallel_loop3A_241] {strides = array<i32>} : memref<64x128xf32, #tpu.memory_space<vmem>>, vector<1x16xf32>,
      %parallel_loop3A_243 = vector.shape_cast %parallel_loop3A_242 : vector<1x16xf32> to vector<16xf32>
      %parallel_loop3A_244 = arith.index_cast %parallel_loop3A_221 : i32 to index
      %parallel_loop3A_245 = arith.constant 16 : index
      %parallel_loop3A_246 = tpu.vector_load %arg11[%parallel_loop3A_244, %parallel_loop3A_245] {strides = array<i32>} : memref<64x128xf32, #tpu.memory_space<vmem>>, vector<1x16xf32>,
      %parallel_loop3A_247 = vector.shape_cast %parallel_loop3A_246 : vector<1x16xf32> to vector<16xf32>
      %parallel_loop3A_248 = arith.mulf %parallel_loop3A_243, %parallel_loop3A_247 : vector<16xf32>
      %parallel_loop3A_249 = arith.addf %parallel_loop3A_223, %parallel_loop3A_248 : vector<16xf32>
      %parallel_loop3A_250 = arith.index_cast %parallel_loop3A_221 : i32 to index
      %parallel_loop3A_251 = arith.constant 32 : index
      %parallel_loop3A_252 = tpu.vector_load %arg7[%parallel_loop3A_250, %parallel_loop3A_251] {strides = array<i32>} : memref<64x128xf32, #tpu.memory_space<vmem>>, vector<1x16xf32>,
      %parallel_loop3A_253 = vector.shape_cast %parallel_loop3A_252 : vector<1x16xf32> to vector<16xf32>
      %parallel_loop3A_254 = arith.index_cast %parallel_loop3A_221 : i32 to index
      %parallel_loop3A_255 = arith.constant 32 : index
      %parallel_loop3A_256 = tpu.vector_load %arg11[%parallel_loop3A_254, %parallel_loop3A_255] {strides = array<i32>} : memref<64x128xf32, #tpu.memory_space<vmem>>, vector<1x16xf32>,
      %parallel_loop3A_257 = vector.shape_cast %parallel_loop3A_256 : vector<1x16xf32> to vector<16xf32>
      %parallel_loop3A_258 = arith.mulf %parallel_loop3A_253, %parallel_loop3A_257 : vector<16xf32>
      %parallel_loop3A_259 = arith.addf %parallel_loop3A_224, %parallel_loop3A_258 : vector<16xf32>
      %parallel_loop3A_260 = arith.index_cast %parallel_loop3A_221 : i32 to index
      %parallel_loop3A_261 = arith.constant 48 : index
      %parallel_loop3A_262 = tpu.vector_load %arg7[%parallel_loop3A_260, %parallel_loop3A_261] {strides = array<i32>} : memref<64x128xf32, #tpu.memory_space<vmem>>, vector<1x16xf32>,
      %parallel_loop3A_263 = vector.shape_cast %parallel_loop3A_262 : vector<1x16xf32> to vector<16xf32>
      %parallel_loop3A_264 = arith.index_cast %parallel_loop3A_221 : i32 to index
      %parallel_loop3A_265 = arith.constant 48 : index
      %parallel_loop3A_266 = tpu.vector_load %arg11[%parallel_loop3A_264, %parallel_loop3A_265] {strides = array<i32>} : memref<64x128xf32, #tpu.memory_space<vmem>>, vector<1x16xf32>,
      %parallel_loop3A_267 = vector.shape_cast %parallel_loop3A_266 : vector<1x16xf32> to vector<16xf32>
      %parallel_loop3A_268 = arith.mulf %parallel_loop3A_263, %parallel_loop3A_267 : vector<16xf32>
      %parallel_loop3A_269 = arith.addf %parallel_loop3A_225, %parallel_loop3A_268 : vector<16xf32>
      %parallel_loop3A_270 = arith.index_cast %parallel_loop3A_221 : i32 to index
      %parallel_loop3A_271 = arith.constant 64 : index
      %parallel_loop3A_272 = tpu.vector_load %arg7[%parallel_loop3A_270, %parallel_loop3A_271] {strides = array<i32>} : memref<64x128xf32, #tpu.memory_space<vmem>>, vector<1x16xf32>,
      %parallel_loop3A_273 = vector.shape_cast %parallel_loop3A_272 : vector<1x16xf32> to vector<16xf32>
      %parallel_loop3A_274 = arith.index_cast %parallel_loop3A_221 : i32 to index
      %parallel_loop3A_275 = arith.constant 64 : index
      %parallel_loop3A_276 = tpu.vector_load %arg11[%parallel_loop3A_274, %parallel_loop3A_275] {strides = array<i32>} : memref<64x128xf32, #tpu.memory_space<vmem>>, vector<1x16xf32>,
      %parallel_loop3A_277 = vector.shape_cast %parallel_loop3A_276 : vector<1x16xf32> to vector<16xf32>
      %parallel_loop3A_278 = arith.mulf %parallel_loop3A_273, %parallel_loop3A_277 : vector<16xf32>
      %parallel_loop3A_279 = arith.addf %parallel_loop3A_226, %parallel_loop3A_278 : vector<16xf32>
      %parallel_loop3A_280 = arith.index_cast %parallel_loop3A_221 : i32 to index
      %parallel_loop3A_281 = arith.constant 80 : index
      %parallel_loop3A_282 = tpu.vector_load %arg7[%parallel_loop3A_280, %parallel_loop3A_281] {strides = array<i32>} : memref<64x128xf32, #tpu.memory_space<vmem>>, vector<1x16xf32>,
      %parallel_loop3A_283 = vector.shape_cast %parallel_loop3A_282 : vector<1x16xf32> to vector<16xf32>
      %parallel_loop3A_284 = arith.index_cast %parallel_loop3A_221 : i32 to index
      %parallel_loop3A_285 = arith.constant 80 : index
      %parallel_loop3A_286 = tpu.vector_load %arg11[%parallel_loop3A_284, %parallel_loop3A_285] {strides = array<i32>} : memref<64x128xf32, #tpu.memory_space<vmem>>, vector<1x16xf32>,
      %parallel_loop3A_287 = vector.shape_cast %parallel_loop3A_286 : vector<1x16xf32> to vector<16xf32>
      %parallel_loop3A_288 = arith.mulf %parallel_loop3A_283, %parallel_loop3A_287 : vector<16xf32>
      %parallel_loop3A_289 = arith.addf %parallel_loop3A_227, %parallel_loop3A_288 : vector<16xf32>
      %parallel_loop3A_290 = arith.index_cast %parallel_loop3A_221 : i32 to index
      %parallel_loop3A_291 = arith.constant 96 : index
      %parallel_loop3A_292 = tpu.vector_load %arg7[%parallel_loop3A_290, %parallel_loop3A_291] {strides = array<i32>} : memref<64x128xf32, #tpu.memory_space<vmem>>, vector<1x16xf32>,
      %parallel_loop3A_293 = vector.shape_cast %parallel_loop3A_292 : vector<1x16xf32> to vector<16xf32>
      %parallel_loop3A_294 = arith.index_cast %parallel_loop3A_221 : i32 to index
      %parallel_loop3A_295 = arith.constant 96 : index
      %parallel_loop3A_296 = tpu.vector_load %arg11[%parallel_loop3A_294, %parallel_loop3A_295] {strides = array<i32>} : memref<64x128xf32, #tpu.memory_space<vmem>>, vector<1x16xf32>,
      %parallel_loop3A_297 = vector.shape_cast %parallel_loop3A_296 : vector<1x16xf32> to vector<16xf32>
      %parallel_loop3A_298 = arith.mulf %parallel_loop3A_293, %parallel_loop3A_297 : vector<16xf32>
      %parallel_loop3A_299 = arith.addf %parallel_loop3A_228, %parallel_loop3A_298 : vector<16xf32>
      %parallel_loop3A_300 = arith.index_cast %parallel_loop3A_221 : i32 to index
      %parallel_loop3A_301 = arith.constant 112 : index
      %parallel_loop3A_302 = tpu.vector_load %arg7[%parallel_loop3A_300, %parallel_loop3A_301] {strides = array<i32>} : memref<64x128xf32, #tpu.memory_space<vmem>>, vector<1x16xf32>,
      %parallel_loop3A_303 = vector.shape_cast %parallel_loop3A_302 : vector<1x16xf32> to vector<16xf32>
      %parallel_loop3A_304 = arith.index_cast %parallel_loop3A_221 : i32 to index
      %parallel_loop3A_305 = arith.constant 112 : index
      %parallel_loop3A_306 = tpu.vector_load %arg11[%parallel_loop3A_304, %parallel_loop3A_305] {strides = array<i32>} : memref<64x128xf32, #tpu.memory_space<vmem>>, vector<1x16xf32>,
      %parallel_loop3A_307 = vector.shape_cast %parallel_loop3A_306 : vector<1x16xf32> to vector<16xf32>
      %parallel_loop3A_308 = arith.mulf %parallel_loop3A_303, %parallel_loop3A_307 : vector<16xf32>
      %parallel_loop3A_309 = arith.addf %parallel_loop3A_229, %parallel_loop3A_308 : vector<16xf32>
      scf.yield %parallel_loop3A_239, %parallel_loop3A_249, %parallel_loop3A_259, %parallel_loop3A_269, %parallel_loop3A_279, %parallel_loop3A_289, %parallel_loop3A_299, %parallel_loop3A_309 : vector<16xf32>, vector<16xf32>, vector<16xf32>, vector<16xf32>, vector<16xf32>, vector<16xf32>, vector<16xf32>, vector<16xf32>
    } {sc.loop_unroll_factor = 8 : i64, sc.parallel_access}
    %dma_wait3A_76 = arith.constant 64 : i32
    %dma_wait3A_77 = tpu.memref_slice %arg6[%dma_wait3A_76] : memref<512xi32, #tpu.memory_space<vmem>> -> memref<64xi32, #tpu.memory_space<vmem>>
    %dma_wait3A_78 = arith.constant 0 : i32
    %dma_wait3A_79 = arith.constant 0 : i32
    %dma_wait3A_80 = tpu.memref_slice %arg4[%dma_wait3A_78, %dma_wait3A_79] : memref<100000x128xf32, #tpu.memory_space<hbm>> -> memref<100000x128xf32, #tpu.memory_space<hbm>>
    tpu.wait_indirect_dma semaphore(%arg18 : memref<!tpu.dma_semaphore, #tpu.memory_space<semaphore_mem>>) src(%dma_wait3A_80 : memref<100000x128xf32, #tpu.memory_space<hbm>>) dst(%arg8 : memref<64x128xf32, #tpu.memory_space<vmem>>)
    %dma_wait3A_81 = arith.constant 0 : i32
    %dma_wait3A_82 = tpu.memref_slice %arg2[%add3A_11, %dma_wait3A_81] : memref<16384x128xf32, #tpu.memory_space<hbm>> -> memref<64x128xf32, #tpu.memory_space<hbm>>
    %dma_wait3A_83 = arith.constant 0 : i32
    %dma_wait3A_84 = tpu.memref_slice %arg2[%add3A_11, %dma_wait3A_83] : memref<16384x128xf32, #tpu.memory_space<hbm>> -> memref<64x128xf32, #tpu.memory_space<hbm>>
    tpu.wait_dma2 semaphore(%arg22 : memref<!tpu.dma_semaphore, #tpu.memory_space<semaphore_mem>>) src(%dma_wait3A_84 : memref<64x128xf32, #tpu.memory_space<hbm>>) dst(%arg12 : memref<64x128xf32, #tpu.memory_space<vmem>>)
    %dma_start3A_85 = arith.constant 256 : i32
    %dma_start3A_86 = tpu.memref_slice %arg6[%dma_start3A_85] : memref<512xi32, #tpu.memory_space<vmem>> -> memref<64xi32, #tpu.memory_space<vmem>>
    %dma_start3A_87 = arith.constant 0 : i32
    %dma_start3A_88 = arith.constant 0 : i32
    %dma_start3A_89 = tpu.memref_slice %arg4[%dma_start3A_87, %dma_start3A_88] : memref<100000x128xf32, #tpu.memory_space<hbm>> -> memref<100000x128xf32, #tpu.memory_space<hbm>>
    tpu.enqueue_indirect_dma source(%dma_start3A_89 : memref<100000x128xf32, #tpu.memory_space<hbm>>) target(%arg7 : memref<64x128xf32, #tpu.memory_space<vmem>>) offsets(%dma_start3A_86 : memref<64xi32, #tpu.memory_space<vmem>>) semaphore(%arg17 : memref<!tpu.dma_semaphore, #tpu.memory_space<semaphore_mem>>)
    %add3A_90 = arith.constant 256 : i32
    %add3A_91 = arith.addi %mul3A_2, %add3A_90 : i32
    %dma_start3A_92 = arith.constant 0 : i32
    %dma_start3A_93 = tpu.memref_slice %arg2[%add3A_91, %dma_start3A_92] : memref<16384x128xf32, #tpu.memory_space<hbm>> -> memref<64x128xf32, #tpu.memory_space<hbm>>
    %dma_start3A_94 = arith.constant 0 : i32
    %dma_start3A_95 = tpu.memref_slice %arg2[%add3A_91, %dma_start3A_94] : memref<16384x128xf32, #tpu.memory_space<hbm>> -> memref<64x128xf32, #tpu.memory_space<hbm>>
    tpu.enqueue_dma source(%dma_start3A_95 : memref<64x128xf32, #tpu.memory_space<hbm>>) target(%arg11 : memref<64x128xf32, #tpu.memory_space<vmem>>) target_semaphore(%arg21 : memref<!tpu.dma_semaphore, #tpu.memory_space<semaphore_mem>>)
    %parallel_loop3A_96 = arith.constant 0 : i32
    %parallel_loop3A_97 = arith.constant 64 : i32
    %parallel_loop3A_98 = arith.constant 1 : i32
    %parallel_loop3A_99:8 = scf.for %parallel_loop3A_221 = %parallel_loop3A_96 to %parallel_loop3A_97 step %parallel_loop3A_98 iter_args(%parallel_loop3A_222 = %parallel_loop3A_75#0, %parallel_loop3A_223 = %parallel_loop3A_75#1, %parallel_loop3A_224 = %parallel_loop3A_75#2, %parallel_loop3A_225 = %parallel_loop3A_75#3, %parallel_loop3A_226 = %parallel_loop3A_75#4, %parallel_loop3A_227 = %parallel_loop3A_75#5, %parallel_loop3A_228 = %parallel_loop3A_75#6, %parallel_loop3A_229 = %parallel_loop3A_75#7) -> (vector<16xf32>, vector<16xf32>, vector<16xf32>, vector<16xf32>, vector<16xf32>, vector<16xf32>, vector<16xf32>, vector<16xf32>)  : i32 {
      %parallel_loop3A_230 = arith.index_cast %parallel_loop3A_221 : i32 to index
      %parallel_loop3A_231 = arith.constant 0 : index
      %parallel_loop3A_232 = tpu.vector_load %arg8[%parallel_loop3A_230, %parallel_loop3A_231] {strides = array<i32>} : memref<64x128xf32, #tpu.memory_space<vmem>>, vector<1x16xf32>,
      %parallel_loop3A_233 = vector.shape_cast %parallel_loop3A_232 : vector<1x16xf32> to vector<16xf32>
      %parallel_loop3A_234 = arith.index_cast %parallel_loop3A_221 : i32 to index
      %parallel_loop3A_235 = arith.constant 0 : index
      %parallel_loop3A_236 = tpu.vector_load %arg12[%parallel_loop3A_234, %parallel_loop3A_235] {strides = array<i32>} : memref<64x128xf32, #tpu.memory_space<vmem>>, vector<1x16xf32>,
      %parallel_loop3A_237 = vector.shape_cast %parallel_loop3A_236 : vector<1x16xf32> to vector<16xf32>
      %parallel_loop3A_238 = arith.mulf %parallel_loop3A_233, %parallel_loop3A_237 : vector<16xf32>
      %parallel_loop3A_239 = arith.addf %parallel_loop3A_222, %parallel_loop3A_238 : vector<16xf32>
      %parallel_loop3A_240 = arith.index_cast %parallel_loop3A_221 : i32 to index
      %parallel_loop3A_241 = arith.constant 16 : index
      %parallel_loop3A_242 = tpu.vector_load %arg8[%parallel_loop3A_240, %parallel_loop3A_241] {strides = array<i32>} : memref<64x128xf32, #tpu.memory_space<vmem>>, vector<1x16xf32>,
      %parallel_loop3A_243 = vector.shape_cast %parallel_loop3A_242 : vector<1x16xf32> to vector<16xf32>
      %parallel_loop3A_244 = arith.index_cast %parallel_loop3A_221 : i32 to index
      %parallel_loop3A_245 = arith.constant 16 : index
      %parallel_loop3A_246 = tpu.vector_load %arg12[%parallel_loop3A_244, %parallel_loop3A_245] {strides = array<i32>} : memref<64x128xf32, #tpu.memory_space<vmem>>, vector<1x16xf32>,
      %parallel_loop3A_247 = vector.shape_cast %parallel_loop3A_246 : vector<1x16xf32> to vector<16xf32>
      %parallel_loop3A_248 = arith.mulf %parallel_loop3A_243, %parallel_loop3A_247 : vector<16xf32>
      %parallel_loop3A_249 = arith.addf %parallel_loop3A_223, %parallel_loop3A_248 : vector<16xf32>
      %parallel_loop3A_250 = arith.index_cast %parallel_loop3A_221 : i32 to index
      %parallel_loop3A_251 = arith.constant 32 : index
      %parallel_loop3A_252 = tpu.vector_load %arg8[%parallel_loop3A_250, %parallel_loop3A_251] {strides = array<i32>} : memref<64x128xf32, #tpu.memory_space<vmem>>, vector<1x16xf32>,
      %parallel_loop3A_253 = vector.shape_cast %parallel_loop3A_252 : vector<1x16xf32> to vector<16xf32>
      %parallel_loop3A_254 = arith.index_cast %parallel_loop3A_221 : i32 to index
      %parallel_loop3A_255 = arith.constant 32 : index
      %parallel_loop3A_256 = tpu.vector_load %arg12[%parallel_loop3A_254, %parallel_loop3A_255] {strides = array<i32>} : memref<64x128xf32, #tpu.memory_space<vmem>>, vector<1x16xf32>,
      %parallel_loop3A_257 = vector.shape_cast %parallel_loop3A_256 : vector<1x16xf32> to vector<16xf32>
      %parallel_loop3A_258 = arith.mulf %parallel_loop3A_253, %parallel_loop3A_257 : vector<16xf32>
      %parallel_loop3A_259 = arith.addf %parallel_loop3A_224, %parallel_loop3A_258 : vector<16xf32>
      %parallel_loop3A_260 = arith.index_cast %parallel_loop3A_221 : i32 to index
      %parallel_loop3A_261 = arith.constant 48 : index
      %parallel_loop3A_262 = tpu.vector_load %arg8[%parallel_loop3A_260, %parallel_loop3A_261] {strides = array<i32>} : memref<64x128xf32, #tpu.memory_space<vmem>>, vector<1x16xf32>,
      %parallel_loop3A_263 = vector.shape_cast %parallel_loop3A_262 : vector<1x16xf32> to vector<16xf32>
      %parallel_loop3A_264 = arith.index_cast %parallel_loop3A_221 : i32 to index
      %parallel_loop3A_265 = arith.constant 48 : index
      %parallel_loop3A_266 = tpu.vector_load %arg12[%parallel_loop3A_264, %parallel_loop3A_265] {strides = array<i32>} : memref<64x128xf32, #tpu.memory_space<vmem>>, vector<1x16xf32>,
      %parallel_loop3A_267 = vector.shape_cast %parallel_loop3A_266 : vector<1x16xf32> to vector<16xf32>
      %parallel_loop3A_268 = arith.mulf %parallel_loop3A_263, %parallel_loop3A_267 : vector<16xf32>
      %parallel_loop3A_269 = arith.addf %parallel_loop3A_225, %parallel_loop3A_268 : vector<16xf32>
      %parallel_loop3A_270 = arith.index_cast %parallel_loop3A_221 : i32 to index
      %parallel_loop3A_271 = arith.constant 64 : index
      %parallel_loop3A_272 = tpu.vector_load %arg8[%parallel_loop3A_270, %parallel_loop3A_271] {strides = array<i32>} : memref<64x128xf32, #tpu.memory_space<vmem>>, vector<1x16xf32>,
      %parallel_loop3A_273 = vector.shape_cast %parallel_loop3A_272 : vector<1x16xf32> to vector<16xf32>
      %parallel_loop3A_274 = arith.index_cast %parallel_loop3A_221 : i32 to index
      %parallel_loop3A_275 = arith.constant 64 : index
      %parallel_loop3A_276 = tpu.vector_load %arg12[%parallel_loop3A_274, %parallel_loop3A_275] {strides = array<i32>} : memref<64x128xf32, #tpu.memory_space<vmem>>, vector<1x16xf32>,
      %parallel_loop3A_277 = vector.shape_cast %parallel_loop3A_276 : vector<1x16xf32> to vector<16xf32>
      %parallel_loop3A_278 = arith.mulf %parallel_loop3A_273, %parallel_loop3A_277 : vector<16xf32>
      %parallel_loop3A_279 = arith.addf %parallel_loop3A_226, %parallel_loop3A_278 : vector<16xf32>
      %parallel_loop3A_280 = arith.index_cast %parallel_loop3A_221 : i32 to index
      %parallel_loop3A_281 = arith.constant 80 : index
      %parallel_loop3A_282 = tpu.vector_load %arg8[%parallel_loop3A_280, %parallel_loop3A_281] {strides = array<i32>} : memref<64x128xf32, #tpu.memory_space<vmem>>, vector<1x16xf32>,
      %parallel_loop3A_283 = vector.shape_cast %parallel_loop3A_282 : vector<1x16xf32> to vector<16xf32>
      %parallel_loop3A_284 = arith.index_cast %parallel_loop3A_221 : i32 to index
      %parallel_loop3A_285 = arith.constant 80 : index
      %parallel_loop3A_286 = tpu.vector_load %arg12[%parallel_loop3A_284, %parallel_loop3A_285] {strides = array<i32>} : memref<64x128xf32, #tpu.memory_space<vmem>>, vector<1x16xf32>,
      %parallel_loop3A_287 = vector.shape_cast %parallel_loop3A_286 : vector<1x16xf32> to vector<16xf32>
      %parallel_loop3A_288 = arith.mulf %parallel_loop3A_283, %parallel_loop3A_287 : vector<16xf32>
      %parallel_loop3A_289 = arith.addf %parallel_loop3A_227, %parallel_loop3A_288 : vector<16xf32>
      %parallel_loop3A_290 = arith.index_cast %parallel_loop3A_221 : i32 to index
      %parallel_loop3A_291 = arith.constant 96 : index
      %parallel_loop3A_292 = tpu.vector_load %arg8[%parallel_loop3A_290, %parallel_loop3A_291] {strides = array<i32>} : memref<64x128xf32, #tpu.memory_space<vmem>>, vector<1x16xf32>,
      %parallel_loop3A_293 = vector.shape_cast %parallel_loop3A_292 : vector<1x16xf32> to vector<16xf32>
      %parallel_loop3A_294 = arith.index_cast %parallel_loop3A_221 : i32 to index
      %parallel_loop3A_295 = arith.constant 96 : index
      %parallel_loop3A_296 = tpu.vector_load %arg12[%parallel_loop3A_294, %parallel_loop3A_295] {strides = array<i32>} : memref<64x128xf32, #tpu.memory_space<vmem>>, vector<1x16xf32>,
      %parallel_loop3A_297 = vector.shape_cast %parallel_loop3A_296 : vector<1x16xf32> to vector<16xf32>
      %parallel_loop3A_298 = arith.mulf %parallel_loop3A_293, %parallel_loop3A_297 : vector<16xf32>
      %parallel_loop3A_299 = arith.addf %parallel_loop3A_228, %parallel_loop3A_298 : vector<16xf32>
      %parallel_loop3A_300 = arith.index_cast %parallel_loop3A_221 : i32 to index
      %parallel_loop3A_301 = arith.constant 112 : index
      %parallel_loop3A_302 = tpu.vector_load %arg8[%parallel_loop3A_300, %parallel_loop3A_301] {strides = array<i32>} : memref<64x128xf32, #tpu.memory_space<vmem>>, vector<1x16xf32>,
      %parallel_loop3A_303 = vector.shape_cast %parallel_loop3A_302 : vector<1x16xf32> to vector<16xf32>
      %parallel_loop3A_304 = arith.index_cast %parallel_loop3A_221 : i32 to index
      %parallel_loop3A_305 = arith.constant 112 : index
      %parallel_loop3A_306 = tpu.vector_load %arg12[%parallel_loop3A_304, %parallel_loop3A_305] {strides = array<i32>} : memref<64x128xf32, #tpu.memory_space<vmem>>, vector<1x16xf32>,
      %parallel_loop3A_307 = vector.shape_cast %parallel_loop3A_306 : vector<1x16xf32> to vector<16xf32>
      %parallel_loop3A_308 = arith.mulf %parallel_loop3A_303, %parallel_loop3A_307 : vector<16xf32>
      %parallel_loop3A_309 = arith.addf %parallel_loop3A_229, %parallel_loop3A_308 : vector<16xf32>
      scf.yield %parallel_loop3A_239, %parallel_loop3A_249, %parallel_loop3A_259, %parallel_loop3A_269, %parallel_loop3A_279, %parallel_loop3A_289, %parallel_loop3A_299, %parallel_loop3A_309 : vector<16xf32>, vector<16xf32>, vector<16xf32>, vector<16xf32>, vector<16xf32>, vector<16xf32>, vector<16xf32>, vector<16xf32>
    } {sc.loop_unroll_factor = 8 : i64, sc.parallel_access}
    %dma_wait3A_100 = arith.constant 128 : i32
    %dma_wait3A_101 = tpu.memref_slice %arg6[%dma_wait3A_100] : memref<512xi32, #tpu.memory_space<vmem>> -> memref<64xi32, #tpu.memory_space<vmem>>
    %dma_wait3A_102 = arith.constant 0 : i32
    %dma_wait3A_103 = arith.constant 0 : i32
    %dma_wait3A_104 = tpu.memref_slice %arg4[%dma_wait3A_102, %dma_wait3A_103] : memref<100000x128xf32, #tpu.memory_space<hbm>> -> memref<100000x128xf32, #tpu.memory_space<hbm>>
    tpu.wait_indirect_dma semaphore(%arg19 : memref<!tpu.dma_semaphore, #tpu.memory_space<semaphore_mem>>) src(%dma_wait3A_104 : memref<100000x128xf32, #tpu.memory_space<hbm>>) dst(%arg9 : memref<64x128xf32, #tpu.memory_space<vmem>>)
    %dma_wait3A_105 = arith.constant 0 : i32
    %dma_wait3A_106 = tpu.memref_slice %arg2[%add3A_17, %dma_wait3A_105] : memref<16384x128xf32, #tpu.memory_space<hbm>> -> memref<64x128xf32, #tpu.memory_space<hbm>>
    %dma_wait3A_107 = arith.constant 0 : i32
    %dma_wait3A_108 = tpu.memref_slice %arg2[%add3A_17, %dma_wait3A_107] : memref<16384x128xf32, #tpu.memory_space<hbm>> -> memref<64x128xf32, #tpu.memory_space<hbm>>
    tpu.wait_dma2 semaphore(%arg23 : memref<!tpu.dma_semaphore, #tpu.memory_space<semaphore_mem>>) src(%dma_wait3A_108 : memref<64x128xf32, #tpu.memory_space<hbm>>) dst(%arg13 : memref<64x128xf32, #tpu.memory_space<vmem>>)
    %dma_start3A_109 = arith.constant 320 : i32
    %dma_start3A_110 = tpu.memref_slice %arg6[%dma_start3A_109] : memref<512xi32, #tpu.memory_space<vmem>> -> memref<64xi32, #tpu.memory_space<vmem>>
    %dma_start3A_111 = arith.constant 0 : i32
    %dma_start3A_112 = arith.constant 0 : i32
    %dma_start3A_113 = tpu.memref_slice %arg4[%dma_start3A_111, %dma_start3A_112] : memref<100000x128xf32, #tpu.memory_space<hbm>> -> memref<100000x128xf32, #tpu.memory_space<hbm>>
    tpu.enqueue_indirect_dma source(%dma_start3A_113 : memref<100000x128xf32, #tpu.memory_space<hbm>>) target(%arg8 : memref<64x128xf32, #tpu.memory_space<vmem>>) offsets(%dma_start3A_110 : memref<64xi32, #tpu.memory_space<vmem>>) semaphore(%arg18 : memref<!tpu.dma_semaphore, #tpu.memory_space<semaphore_mem>>)
    %add3A_114 = arith.constant 320 : i32
    %add3A_115 = arith.addi %mul3A_2, %add3A_114 : i32
    %dma_start3A_116 = arith.constant 0 : i32
    %dma_start3A_117 = tpu.memref_slice %arg2[%add3A_115, %dma_start3A_116] : memref<16384x128xf32, #tpu.memory_space<hbm>> -> memref<64x128xf32, #tpu.memory_space<hbm>>
    %dma_start3A_118 = arith.constant 0 : i32
    %dma_start3A_119 = tpu.memref_slice %arg2[%add3A_115, %dma_start3A_118] : memref<16384x128xf32, #tpu.memory_space<hbm>> -> memref<64x128xf32, #tpu.memory_space<hbm>>
    tpu.enqueue_dma source(%dma_start3A_119 : memref<64x128xf32, #tpu.memory_space<hbm>>) target(%arg12 : memref<64x128xf32, #tpu.memory_space<vmem>>) target_semaphore(%arg22 : memref<!tpu.dma_semaphore, #tpu.memory_space<semaphore_mem>>)
    %parallel_loop3A_120 = arith.constant 0 : i32
    %parallel_loop3A_121 = arith.constant 64 : i32
    %parallel_loop3A_122 = arith.constant 1 : i32
    %parallel_loop3A_123:8 = scf.for %parallel_loop3A_221 = %parallel_loop3A_120 to %parallel_loop3A_121 step %parallel_loop3A_122 iter_args(%parallel_loop3A_222 = %parallel_loop3A_99#0, %parallel_loop3A_223 = %parallel_loop3A_99#1, %parallel_loop3A_224 = %parallel_loop3A_99#2, %parallel_loop3A_225 = %parallel_loop3A_99#3, %parallel_loop3A_226 = %parallel_loop3A_99#4, %parallel_loop3A_227 = %parallel_loop3A_99#5, %parallel_loop3A_228 = %parallel_loop3A_99#6, %parallel_loop3A_229 = %parallel_loop3A_99#7) -> (vector<16xf32>, vector<16xf32>, vector<16xf32>, vector<16xf32>, vector<16xf32>, vector<16xf32>, vector<16xf32>, vector<16xf32>)  : i32 {
      %parallel_loop3A_230 = arith.index_cast %parallel_loop3A_221 : i32 to index
      %parallel_loop3A_231 = arith.constant 0 : index
      %parallel_loop3A_232 = tpu.vector_load %arg9[%parallel_loop3A_230, %parallel_loop3A_231] {strides = array<i32>} : memref<64x128xf32, #tpu.memory_space<vmem>>, vector<1x16xf32>,
      %parallel_loop3A_233 = vector.shape_cast %parallel_loop3A_232 : vector<1x16xf32> to vector<16xf32>
      %parallel_loop3A_234 = arith.index_cast %parallel_loop3A_221 : i32 to index
      %parallel_loop3A_235 = arith.constant 0 : index
      %parallel_loop3A_236 = tpu.vector_load %arg13[%parallel_loop3A_234, %parallel_loop3A_235] {strides = array<i32>} : memref<64x128xf32, #tpu.memory_space<vmem>>, vector<1x16xf32>,
      %parallel_loop3A_237 = vector.shape_cast %parallel_loop3A_236 : vector<1x16xf32> to vector<16xf32>
      %parallel_loop3A_238 = arith.mulf %parallel_loop3A_233, %parallel_loop3A_237 : vector<16xf32>
      %parallel_loop3A_239 = arith.addf %parallel_loop3A_222, %parallel_loop3A_238 : vector<16xf32>
      %parallel_loop3A_240 = arith.index_cast %parallel_loop3A_221 : i32 to index
      %parallel_loop3A_241 = arith.constant 16 : index
      %parallel_loop3A_242 = tpu.vector_load %arg9[%parallel_loop3A_240, %parallel_loop3A_241] {strides = array<i32>} : memref<64x128xf32, #tpu.memory_space<vmem>>, vector<1x16xf32>,
      %parallel_loop3A_243 = vector.shape_cast %parallel_loop3A_242 : vector<1x16xf32> to vector<16xf32>
      %parallel_loop3A_244 = arith.index_cast %parallel_loop3A_221 : i32 to index
      %parallel_loop3A_245 = arith.constant 16 : index
      %parallel_loop3A_246 = tpu.vector_load %arg13[%parallel_loop3A_244, %parallel_loop3A_245] {strides = array<i32>} : memref<64x128xf32, #tpu.memory_space<vmem>>, vector<1x16xf32>,
      %parallel_loop3A_247 = vector.shape_cast %parallel_loop3A_246 : vector<1x16xf32> to vector<16xf32>
      %parallel_loop3A_248 = arith.mulf %parallel_loop3A_243, %parallel_loop3A_247 : vector<16xf32>
      %parallel_loop3A_249 = arith.addf %parallel_loop3A_223, %parallel_loop3A_248 : vector<16xf32>
      %parallel_loop3A_250 = arith.index_cast %parallel_loop3A_221 : i32 to index
      %parallel_loop3A_251 = arith.constant 32 : index
      %parallel_loop3A_252 = tpu.vector_load %arg9[%parallel_loop3A_250, %parallel_loop3A_251] {strides = array<i32>} : memref<64x128xf32, #tpu.memory_space<vmem>>, vector<1x16xf32>,
      %parallel_loop3A_253 = vector.shape_cast %parallel_loop3A_252 : vector<1x16xf32> to vector<16xf32>
      %parallel_loop3A_254 = arith.index_cast %parallel_loop3A_221 : i32 to index
      %parallel_loop3A_255 = arith.constant 32 : index
      %parallel_loop3A_256 = tpu.vector_load %arg13[%parallel_loop3A_254, %parallel_loop3A_255] {strides = array<i32>} : memref<64x128xf32, #tpu.memory_space<vmem>>, vector<1x16xf32>,
      %parallel_loop3A_257 = vector.shape_cast %parallel_loop3A_256 : vector<1x16xf32> to vector<16xf32>
      %parallel_loop3A_258 = arith.mulf %parallel_loop3A_253, %parallel_loop3A_257 : vector<16xf32>
      %parallel_loop3A_259 = arith.addf %parallel_loop3A_224, %parallel_loop3A_258 : vector<16xf32>
      %parallel_loop3A_260 = arith.index_cast %parallel_loop3A_221 : i32 to index
      %parallel_loop3A_261 = arith.constant 48 : index
      %parallel_loop3A_262 = tpu.vector_load %arg9[%parallel_loop3A_260, %parallel_loop3A_261] {strides = array<i32>} : memref<64x128xf32, #tpu.memory_space<vmem>>, vector<1x16xf32>,
      %parallel_loop3A_263 = vector.shape_cast %parallel_loop3A_262 : vector<1x16xf32> to vector<16xf32>
      %parallel_loop3A_264 = arith.index_cast %parallel_loop3A_221 : i32 to index
      %parallel_loop3A_265 = arith.constant 48 : index
      %parallel_loop3A_266 = tpu.vector_load %arg13[%parallel_loop3A_264, %parallel_loop3A_265] {strides = array<i32>} : memref<64x128xf32, #tpu.memory_space<vmem>>, vector<1x16xf32>,
      %parallel_loop3A_267 = vector.shape_cast %parallel_loop3A_266 : vector<1x16xf32> to vector<16xf32>
      %parallel_loop3A_268 = arith.mulf %parallel_loop3A_263, %parallel_loop3A_267 : vector<16xf32>
      %parallel_loop3A_269 = arith.addf %parallel_loop3A_225, %parallel_loop3A_268 : vector<16xf32>
      %parallel_loop3A_270 = arith.index_cast %parallel_loop3A_221 : i32 to index
      %parallel_loop3A_271 = arith.constant 64 : index
      %parallel_loop3A_272 = tpu.vector_load %arg9[%parallel_loop3A_270, %parallel_loop3A_271] {strides = array<i32>} : memref<64x128xf32, #tpu.memory_space<vmem>>, vector<1x16xf32>,
      %parallel_loop3A_273 = vector.shape_cast %parallel_loop3A_272 : vector<1x16xf32> to vector<16xf32>
      %parallel_loop3A_274 = arith.index_cast %parallel_loop3A_221 : i32 to index
      %parallel_loop3A_275 = arith.constant 64 : index
      %parallel_loop3A_276 = tpu.vector_load %arg13[%parallel_loop3A_274, %parallel_loop3A_275] {strides = array<i32>} : memref<64x128xf32, #tpu.memory_space<vmem>>, vector<1x16xf32>,
      %parallel_loop3A_277 = vector.shape_cast %parallel_loop3A_276 : vector<1x16xf32> to vector<16xf32>
      %parallel_loop3A_278 = arith.mulf %parallel_loop3A_273, %parallel_loop3A_277 : vector<16xf32>
      %parallel_loop3A_279 = arith.addf %parallel_loop3A_226, %parallel_loop3A_278 : vector<16xf32>
      %parallel_loop3A_280 = arith.index_cast %parallel_loop3A_221 : i32 to index
      %parallel_loop3A_281 = arith.constant 80 : index
      %parallel_loop3A_282 = tpu.vector_load %arg9[%parallel_loop3A_280, %parallel_loop3A_281] {strides = array<i32>} : memref<64x128xf32, #tpu.memory_space<vmem>>, vector<1x16xf32>,
      %parallel_loop3A_283 = vector.shape_cast %parallel_loop3A_282 : vector<1x16xf32> to vector<16xf32>
      %parallel_loop3A_284 = arith.index_cast %parallel_loop3A_221 : i32 to index
      %parallel_loop3A_285 = arith.constant 80 : index
      %parallel_loop3A_286 = tpu.vector_load %arg13[%parallel_loop3A_284, %parallel_loop3A_285] {strides = array<i32>} : memref<64x128xf32, #tpu.memory_space<vmem>>, vector<1x16xf32>,
      %parallel_loop3A_287 = vector.shape_cast %parallel_loop3A_286 : vector<1x16xf32> to vector<16xf32>
      %parallel_loop3A_288 = arith.mulf %parallel_loop3A_283, %parallel_loop3A_287 : vector<16xf32>
      %parallel_loop3A_289 = arith.addf %parallel_loop3A_227, %parallel_loop3A_288 : vector<16xf32>
      %parallel_loop3A_290 = arith.index_cast %parallel_loop3A_221 : i32 to index
      %parallel_loop3A_291 = arith.constant 96 : index
      %parallel_loop3A_292 = tpu.vector_load %arg9[%parallel_loop3A_290, %parallel_loop3A_291] {strides = array<i32>} : memref<64x128xf32, #tpu.memory_space<vmem>>, vector<1x16xf32>,
      %parallel_loop3A_293 = vector.shape_cast %parallel_loop3A_292 : vector<1x16xf32> to vector<16xf32>
      %parallel_loop3A_294 = arith.index_cast %parallel_loop3A_221 : i32 to index
      %parallel_loop3A_295 = arith.constant 96 : index
      %parallel_loop3A_296 = tpu.vector_load %arg13[%parallel_loop3A_294, %parallel_loop3A_295] {strides = array<i32>} : memref<64x128xf32, #tpu.memory_space<vmem>>, vector<1x16xf32>,
      %parallel_loop3A_297 = vector.shape_cast %parallel_loop3A_296 : vector<1x16xf32> to vector<16xf32>
      %parallel_loop3A_298 = arith.mulf %parallel_loop3A_293, %parallel_loop3A_297 : vector<16xf32>
      %parallel_loop3A_299 = arith.addf %parallel_loop3A_228, %parallel_loop3A_298 : vector<16xf32>
      %parallel_loop3A_300 = arith.index_cast %parallel_loop3A_221 : i32 to index
      %parallel_loop3A_301 = arith.constant 112 : index
      %parallel_loop3A_302 = tpu.vector_load %arg9[%parallel_loop3A_300, %parallel_loop3A_301] {strides = array<i32>} : memref<64x128xf32, #tpu.memory_space<vmem>>, vector<1x16xf32>,
      %parallel_loop3A_303 = vector.shape_cast %parallel_loop3A_302 : vector<1x16xf32> to vector<16xf32>
      %parallel_loop3A_304 = arith.index_cast %parallel_loop3A_221 : i32 to index
      %parallel_loop3A_305 = arith.constant 112 : index
      %parallel_loop3A_306 = tpu.vector_load %arg13[%parallel_loop3A_304, %parallel_loop3A_305] {strides = array<i32>} : memref<64x128xf32, #tpu.memory_space<vmem>>, vector<1x16xf32>,
      %parallel_loop3A_307 = vector.shape_cast %parallel_loop3A_306 : vector<1x16xf32> to vector<16xf32>
      %parallel_loop3A_308 = arith.mulf %parallel_loop3A_303, %parallel_loop3A_307 : vector<16xf32>
      %parallel_loop3A_309 = arith.addf %parallel_loop3A_229, %parallel_loop3A_308 : vector<16xf32>
      scf.yield %parallel_loop3A_239, %parallel_loop3A_249, %parallel_loop3A_259, %parallel_loop3A_269, %parallel_loop3A_279, %parallel_loop3A_289, %parallel_loop3A_299, %parallel_loop3A_309 : vector<16xf32>, vector<16xf32>, vector<16xf32>, vector<16xf32>, vector<16xf32>, vector<16xf32>, vector<16xf32>, vector<16xf32>
    } {sc.loop_unroll_factor = 8 : i64, sc.parallel_access}
    %dma_wait3A_124 = arith.constant 192 : i32
    %dma_wait3A_125 = tpu.memref_slice %arg6[%dma_wait3A_124] : memref<512xi32, #tpu.memory_space<vmem>> -> memref<64xi32, #tpu.memory_space<vmem>>
    %dma_wait3A_126 = arith.constant 0 : i32
    %dma_wait3A_127 = arith.constant 0 : i32
    %dma_wait3A_128 = tpu.memref_slice %arg4[%dma_wait3A_126, %dma_wait3A_127] : memref<100000x128xf32, #tpu.memory_space<hbm>> -> memref<100000x128xf32, #tpu.memory_space<hbm>>
    tpu.wait_indirect_dma semaphore(%arg20 : memref<!tpu.dma_semaphore, #tpu.memory_space<semaphore_mem>>) src(%dma_wait3A_128 : memref<100000x128xf32, #tpu.memory_space<hbm>>) dst(%arg10 : memref<64x128xf32, #tpu.memory_space<vmem>>)
    %dma_wait3A_129 = arith.constant 0 : i32
    %dma_wait3A_130 = tpu.memref_slice %arg2[%add3A_68, %dma_wait3A_129] : memref<16384x128xf32, #tpu.memory_space<hbm>> -> memref<64x128xf32, #tpu.memory_space<hbm>>
    %dma_wait3A_131 = arith.constant 0 : i32
    %dma_wait3A_132 = tpu.memref_slice %arg2[%add3A_68, %dma_wait3A_131] : memref<16384x128xf32, #tpu.memory_space<hbm>> -> memref<64x128xf32, #tpu.memory_space<hbm>>
    tpu.wait_dma2 semaphore(%arg24 : memref<!tpu.dma_semaphore, #tpu.memory_space<semaphore_mem>>) src(%dma_wait3A_132 : memref<64x128xf32, #tpu.memory_space<hbm>>) dst(%arg14 : memref<64x128xf32, #tpu.memory_space<vmem>>)
    %dma_start3A_133 = arith.constant 384 : i32
    %dma_start3A_134 = tpu.memref_slice %arg6[%dma_start3A_133] : memref<512xi32, #tpu.memory_space<vmem>> -> memref<64xi32, #tpu.memory_space<vmem>>
    %dma_start3A_135 = arith.constant 0 : i32
    %dma_start3A_136 = arith.constant 0 : i32
    %dma_start3A_137 = tpu.memref_slice %arg4[%dma_start3A_135, %dma_start3A_136] : memref<100000x128xf32, #tpu.memory_space<hbm>> -> memref<100000x128xf32, #tpu.memory_space<hbm>>
    tpu.enqueue_indirect_dma source(%dma_start3A_137 : memref<100000x128xf32, #tpu.memory_space<hbm>>) target(%arg9 : memref<64x128xf32, #tpu.memory_space<vmem>>) offsets(%dma_start3A_134 : memref<64xi32, #tpu.memory_space<vmem>>) semaphore(%arg19 : memref<!tpu.dma_semaphore, #tpu.memory_space<semaphore_mem>>)
    %add3A_138 = arith.constant 384 : i32
    %add3A_139 = arith.addi %mul3A_2, %add3A_138 : i32
    %dma_start3A_140 = arith.constant 0 : i32
    %dma_start3A_141 = tpu.memref_slice %arg2[%add3A_139, %dma_start3A_140] : memref<16384x128xf32, #tpu.memory_space<hbm>> -> memref<64x128xf32, #tpu.memory_space<hbm>>
    %dma_start3A_142 = arith.constant 0 : i32
    %dma_start3A_143 = tpu.memref_slice %arg2[%add3A_139, %dma_start3A_142] : memref<16384x128xf32, #tpu.memory_space<hbm>> -> memref<64x128xf32, #tpu.memory_space<hbm>>
    tpu.enqueue_dma source(%dma_start3A_143 : memref<64x128xf32, #tpu.memory_space<hbm>>) target(%arg13 : memref<64x128xf32, #tpu.memory_space<vmem>>) target_semaphore(%arg23 : memref<!tpu.dma_semaphore, #tpu.memory_space<semaphore_mem>>)
    %parallel_loop3A_144 = arith.constant 0 : i32
    %parallel_loop3A_145 = arith.constant 64 : i32
    %parallel_loop3A_146 = arith.constant 1 : i32
    %parallel_loop3A_147:8 = scf.for %parallel_loop3A_221 = %parallel_loop3A_144 to %parallel_loop3A_145 step %parallel_loop3A_146 iter_args(%parallel_loop3A_222 = %parallel_loop3A_123#0, %parallel_loop3A_223 = %parallel_loop3A_123#1, %parallel_loop3A_224 = %parallel_loop3A_123#2, %parallel_loop3A_225 = %parallel_loop3A_123#3, %parallel_loop3A_226 = %parallel_loop3A_123#4, %parallel_loop3A_227 = %parallel_loop3A_123#5, %parallel_loop3A_228 = %parallel_loop3A_123#6, %parallel_loop3A_229 = %parallel_loop3A_123#7) -> (vector<16xf32>, vector<16xf32>, vector<16xf32>, vector<16xf32>, vector<16xf32>, vector<16xf32>, vector<16xf32>, vector<16xf32>)  : i32 {
      %parallel_loop3A_230 = arith.index_cast %parallel_loop3A_221 : i32 to index
      %parallel_loop3A_231 = arith.constant 0 : index
      %parallel_loop3A_232 = tpu.vector_load %arg10[%parallel_loop3A_230, %parallel_loop3A_231] {strides = array<i32>} : memref<64x128xf32, #tpu.memory_space<vmem>>, vector<1x16xf32>,
      %parallel_loop3A_233 = vector.shape_cast %parallel_loop3A_232 : vector<1x16xf32> to vector<16xf32>
      %parallel_loop3A_234 = arith.index_cast %parallel_loop3A_221 : i32 to index
      %parallel_loop3A_235 = arith.constant 0 : index
      %parallel_loop3A_236 = tpu.vector_load %arg14[%parallel_loop3A_234, %parallel_loop3A_235] {strides = array<i32>} : memref<64x128xf32, #tpu.memory_space<vmem>>, vector<1x16xf32>,
      %parallel_loop3A_237 = vector.shape_cast %parallel_loop3A_236 : vector<1x16xf32> to vector<16xf32>
      %parallel_loop3A_238 = arith.mulf %parallel_loop3A_233, %parallel_loop3A_237 : vector<16xf32>
      %parallel_loop3A_239 = arith.addf %parallel_loop3A_222, %parallel_loop3A_238 : vector<16xf32>
      %parallel_loop3A_240 = arith.index_cast %parallel_loop3A_221 : i32 to index
      %parallel_loop3A_241 = arith.constant 16 : index
      %parallel_loop3A_242 = tpu.vector_load %arg10[%parallel_loop3A_240, %parallel_loop3A_241] {strides = array<i32>} : memref<64x128xf32, #tpu.memory_space<vmem>>, vector<1x16xf32>,
      %parallel_loop3A_243 = vector.shape_cast %parallel_loop3A_242 : vector<1x16xf32> to vector<16xf32>
      %parallel_loop3A_244 = arith.index_cast %parallel_loop3A_221 : i32 to index
      %parallel_loop3A_245 = arith.constant 16 : index
      %parallel_loop3A_246 = tpu.vector_load %arg14[%parallel_loop3A_244, %parallel_loop3A_245] {strides = array<i32>} : memref<64x128xf32, #tpu.memory_space<vmem>>, vector<1x16xf32>,
      %parallel_loop3A_247 = vector.shape_cast %parallel_loop3A_246 : vector<1x16xf32> to vector<16xf32>
      %parallel_loop3A_248 = arith.mulf %parallel_loop3A_243, %parallel_loop3A_247 : vector<16xf32>
      %parallel_loop3A_249 = arith.addf %parallel_loop3A_223, %parallel_loop3A_248 : vector<16xf32>
      %parallel_loop3A_250 = arith.index_cast %parallel_loop3A_221 : i32 to index
      %parallel_loop3A_251 = arith.constant 32 : index
      %parallel_loop3A_252 = tpu.vector_load %arg10[%parallel_loop3A_250, %parallel_loop3A_251] {strides = array<i32>} : memref<64x128xf32, #tpu.memory_space<vmem>>, vector<1x16xf32>,
      %parallel_loop3A_253 = vector.shape_cast %parallel_loop3A_252 : vector<1x16xf32> to vector<16xf32>
      %parallel_loop3A_254 = arith.index_cast %parallel_loop3A_221 : i32 to index
      %parallel_loop3A_255 = arith.constant 32 : index
      %parallel_loop3A_256 = tpu.vector_load %arg14[%parallel_loop3A_254, %parallel_loop3A_255] {strides = array<i32>} : memref<64x128xf32, #tpu.memory_space<vmem>>, vector<1x16xf32>,
      %parallel_loop3A_257 = vector.shape_cast %parallel_loop3A_256 : vector<1x16xf32> to vector<16xf32>
      %parallel_loop3A_258 = arith.mulf %parallel_loop3A_253, %parallel_loop3A_257 : vector<16xf32>
      %parallel_loop3A_259 = arith.addf %parallel_loop3A_224, %parallel_loop3A_258 : vector<16xf32>
      %parallel_loop3A_260 = arith.index_cast %parallel_loop3A_221 : i32 to index
      %parallel_loop3A_261 = arith.constant 48 : index
      %parallel_loop3A_262 = tpu.vector_load %arg10[%parallel_loop3A_260, %parallel_loop3A_261] {strides = array<i32>} : memref<64x128xf32, #tpu.memory_space<vmem>>, vector<1x16xf32>,
      %parallel_loop3A_263 = vector.shape_cast %parallel_loop3A_262 : vector<1x16xf32> to vector<16xf32>
      %parallel_loop3A_264 = arith.index_cast %parallel_loop3A_221 : i32 to index
      %parallel_loop3A_265 = arith.constant 48 : index
      %parallel_loop3A_266 = tpu.vector_load %arg14[%parallel_loop3A_264, %parallel_loop3A_265] {strides = array<i32>} : memref<64x128xf32, #tpu.memory_space<vmem>>, vector<1x16xf32>,
      %parallel_loop3A_267 = vector.shape_cast %parallel_loop3A_266 : vector<1x16xf32> to vector<16xf32>
      %parallel_loop3A_268 = arith.mulf %parallel_loop3A_263, %parallel_loop3A_267 : vector<16xf32>
      %parallel_loop3A_269 = arith.addf %parallel_loop3A_225, %parallel_loop3A_268 : vector<16xf32>
      %parallel_loop3A_270 = arith.index_cast %parallel_loop3A_221 : i32 to index
      %parallel_loop3A_271 = arith.constant 64 : index
      %parallel_loop3A_272 = tpu.vector_load %arg10[%parallel_loop3A_270, %parallel_loop3A_271] {strides = array<i32>} : memref<64x128xf32, #tpu.memory_space<vmem>>, vector<1x16xf32>,
      %parallel_loop3A_273 = vector.shape_cast %parallel_loop3A_272 : vector<1x16xf32> to vector<16xf32>
      %parallel_loop3A_274 = arith.index_cast %parallel_loop3A_221 : i32 to index
      %parallel_loop3A_275 = arith.constant 64 : index
      %parallel_loop3A_276 = tpu.vector_load %arg14[%parallel_loop3A_274, %parallel_loop3A_275] {strides = array<i32>} : memref<64x128xf32, #tpu.memory_space<vmem>>, vector<1x16xf32>,
      %parallel_loop3A_277 = vector.shape_cast %parallel_loop3A_276 : vector<1x16xf32> to vector<16xf32>
      %parallel_loop3A_278 = arith.mulf %parallel_loop3A_273, %parallel_loop3A_277 : vector<16xf32>
      %parallel_loop3A_279 = arith.addf %parallel_loop3A_226, %parallel_loop3A_278 : vector<16xf32>
      %parallel_loop3A_280 = arith.index_cast %parallel_loop3A_221 : i32 to index
      %parallel_loop3A_281 = arith.constant 80 : index
      %parallel_loop3A_282 = tpu.vector_load %arg10[%parallel_loop3A_280, %parallel_loop3A_281] {strides = array<i32>} : memref<64x128xf32, #tpu.memory_space<vmem>>, vector<1x16xf32>,
      %parallel_loop3A_283 = vector.shape_cast %parallel_loop3A_282 : vector<1x16xf32> to vector<16xf32>
      %parallel_loop3A_284 = arith.index_cast %parallel_loop3A_221 : i32 to index
      %parallel_loop3A_285 = arith.constant 80 : index
      %parallel_loop3A_286 = tpu.vector_load %arg14[%parallel_loop3A_284, %parallel_loop3A_285] {strides = array<i32>} : memref<64x128xf32, #tpu.memory_space<vmem>>, vector<1x16xf32>,
      %parallel_loop3A_287 = vector.shape_cast %parallel_loop3A_286 : vector<1x16xf32> to vector<16xf32>
      %parallel_loop3A_288 = arith.mulf %parallel_loop3A_283, %parallel_loop3A_287 : vector<16xf32>
      %parallel_loop3A_289 = arith.addf %parallel_loop3A_227, %parallel_loop3A_288 : vector<16xf32>
      %parallel_loop3A_290 = arith.index_cast %parallel_loop3A_221 : i32 to index
      %parallel_loop3A_291 = arith.constant 96 : index
      %parallel_loop3A_292 = tpu.vector_load %arg10[%parallel_loop3A_290, %parallel_loop3A_291] {strides = array<i32>} : memref<64x128xf32, #tpu.memory_space<vmem>>, vector<1x16xf32>,
      %parallel_loop3A_293 = vector.shape_cast %parallel_loop3A_292 : vector<1x16xf32> to vector<16xf32>
      %parallel_loop3A_294 = arith.index_cast %parallel_loop3A_221 : i32 to index
      %parallel_loop3A_295 = arith.constant 96 : index
      %parallel_loop3A_296 = tpu.vector_load %arg14[%parallel_loop3A_294, %parallel_loop3A_295] {strides = array<i32>} : memref<64x128xf32, #tpu.memory_space<vmem>>, vector<1x16xf32>,
      %parallel_loop3A_297 = vector.shape_cast %parallel_loop3A_296 : vector<1x16xf32> to vector<16xf32>
      %parallel_loop3A_298 = arith.mulf %parallel_loop3A_293, %parallel_loop3A_297 : vector<16xf32>
      %parallel_loop3A_299 = arith.addf %parallel_loop3A_228, %parallel_loop3A_298 : vector<16xf32>
      %parallel_loop3A_300 = arith.index_cast %parallel_loop3A_221 : i32 to index
      %parallel_loop3A_301 = arith.constant 112 : index
      %parallel_loop3A_302 = tpu.vector_load %arg10[%parallel_loop3A_300, %parallel_loop3A_301] {strides = array<i32>} : memref<64x128xf32, #tpu.memory_space<vmem>>, vector<1x16xf32>,
      %parallel_loop3A_303 = vector.shape_cast %parallel_loop3A_302 : vector<1x16xf32> to vector<16xf32>
      %parallel_loop3A_304 = arith.index_cast %parallel_loop3A_221 : i32 to index
      %parallel_loop3A_305 = arith.constant 112 : index
      %parallel_loop3A_306 = tpu.vector_load %arg14[%parallel_loop3A_304, %parallel_loop3A_305] {strides = array<i32>} : memref<64x128xf32, #tpu.memory_space<vmem>>, vector<1x16xf32>,
      %parallel_loop3A_307 = vector.shape_cast %parallel_loop3A_306 : vector<1x16xf32> to vector<16xf32>
      %parallel_loop3A_308 = arith.mulf %parallel_loop3A_303, %parallel_loop3A_307 : vector<16xf32>
      %parallel_loop3A_309 = arith.addf %parallel_loop3A_229, %parallel_loop3A_308 : vector<16xf32>
      scf.yield %parallel_loop3A_239, %parallel_loop3A_249, %parallel_loop3A_259, %parallel_loop3A_269, %parallel_loop3A_279, %parallel_loop3A_289, %parallel_loop3A_299, %parallel_loop3A_309 : vector<16xf32>, vector<16xf32>, vector<16xf32>, vector<16xf32>, vector<16xf32>, vector<16xf32>, vector<16xf32>, vector<16xf32>
    } {sc.loop_unroll_factor = 8 : i64, sc.parallel_access}
    %dma_wait3A_148 = arith.constant 256 : i32
    %dma_wait3A_149 = tpu.memref_slice %arg6[%dma_wait3A_148] : memref<512xi32, #tpu.memory_space<vmem>> -> memref<64xi32, #tpu.memory_space<vmem>>
    %dma_wait3A_150 = arith.constant 0 : i32
    %dma_wait3A_151 = arith.constant 0 : i32
    %dma_wait3A_152 = tpu.memref_slice %arg4[%dma_wait3A_150, %dma_wait3A_151] : memref<100000x128xf32, #tpu.memory_space<hbm>> -> memref<100000x128xf32, #tpu.memory_space<hbm>>
    tpu.wait_indirect_dma semaphore(%arg17 : memref<!tpu.dma_semaphore, #tpu.memory_space<semaphore_mem>>) src(%dma_wait3A_152 : memref<100000x128xf32, #tpu.memory_space<hbm>>) dst(%arg7 : memref<64x128xf32, #tpu.memory_space<vmem>>)
    %dma_wait3A_153 = arith.constant 0 : i32
    %dma_wait3A_154 = tpu.memref_slice %arg2[%add3A_91, %dma_wait3A_153] : memref<16384x128xf32, #tpu.memory_space<hbm>> -> memref<64x128xf32, #tpu.memory_space<hbm>>
    %dma_wait3A_155 = arith.constant 0 : i32
    %dma_wait3A_156 = tpu.memref_slice %arg2[%add3A_91, %dma_wait3A_155] : memref<16384x128xf32, #tpu.memory_space<hbm>> -> memref<64x128xf32, #tpu.memory_space<hbm>>
    tpu.wait_dma2 semaphore(%arg21 : memref<!tpu.dma_semaphore, #tpu.memory_space<semaphore_mem>>) src(%dma_wait3A_156 : memref<64x128xf32, #tpu.memory_space<hbm>>) dst(%arg11 : memref<64x128xf32, #tpu.memory_space<vmem>>)
    %dma_start3A_157 = arith.constant 448 : i32
    %dma_start3A_158 = tpu.memref_slice %arg6[%dma_start3A_157] : memref<512xi32, #tpu.memory_space<vmem>> -> memref<64xi32, #tpu.memory_space<vmem>>
    %dma_start3A_159 = arith.constant 0 : i32
    %dma_start3A_160 = arith.constant 0 : i32
    %dma_start3A_161 = tpu.memref_slice %arg4[%dma_start3A_159, %dma_start3A_160] : memref<100000x128xf32, #tpu.memory_space<hbm>> -> memref<100000x128xf32, #tpu.memory_space<hbm>>
    tpu.enqueue_indirect_dma source(%dma_start3A_161 : memref<100000x128xf32, #tpu.memory_space<hbm>>) target(%arg10 : memref<64x128xf32, #tpu.memory_space<vmem>>) offsets(%dma_start3A_158 : memref<64xi32, #tpu.memory_space<vmem>>) semaphore(%arg20 : memref<!tpu.dma_semaphore, #tpu.memory_space<semaphore_mem>>)
    %add3A_162 = arith.constant 448 : i32
    %add3A_163 = arith.addi %mul3A_2, %add3A_162 : i32
    %dma_start3A_164 = arith.constant 0 : i32
    %dma_start3A_165 = tpu.memref_slice %arg2[%add3A_163, %dma_start3A_164] : memref<16384x128xf32, #tpu.memory_space<hbm>> -> memref<64x128xf32, #tpu.memory_space<hbm>>
    %dma_start3A_166 = arith.constant 0 : i32
    %dma_start3A_167 = tpu.memref_slice %arg2[%add3A_163, %dma_start3A_166] : memref<16384x128xf32, #tpu.memory_space<hbm>> -> memref<64x128xf32, #tpu.memory_space<hbm>>
    tpu.enqueue_dma source(%dma_start3A_167 : memref<64x128xf32, #tpu.memory_space<hbm>>) target(%arg14 : memref<64x128xf32, #tpu.memory_space<vmem>>) target_semaphore(%arg24 : memref<!tpu.dma_semaphore, #tpu.memory_space<semaphore_mem>>)
    %parallel_loop3A_168 = arith.constant 0 : i32
    %parallel_loop3A_169 = arith.constant 64 : i32
    %parallel_loop3A_170 = arith.constant 1 : i32
    %parallel_loop3A_171:8 = scf.for %parallel_loop3A_221 = %parallel_loop3A_168 to %parallel_loop3A_169 step %parallel_loop3A_170 iter_args(%parallel_loop3A_222 = %parallel_loop3A_147#0, %parallel_loop3A_223 = %parallel_loop3A_147#1, %parallel_loop3A_224 = %parallel_loop3A_147#2, %parallel_loop3A_225 = %parallel_loop3A_147#3, %parallel_loop3A_226 = %parallel_loop3A_147#4, %parallel_loop3A_227 = %parallel_loop3A_147#5, %parallel_loop3A_228 = %parallel_loop3A_147#6, %parallel_loop3A_229 = %parallel_loop3A_147#7) -> (vector<16xf32>, vector<16xf32>, vector<16xf32>, vector<16xf32>, vector<16xf32>, vector<16xf32>, vector<16xf32>, vector<16xf32>)  : i32 {
      %parallel_loop3A_230 = arith.index_cast %parallel_loop3A_221 : i32 to index
      %parallel_loop3A_231 = arith.constant 0 : index
      %parallel_loop3A_232 = tpu.vector_load %arg7[%parallel_loop3A_230, %parallel_loop3A_231] {strides = array<i32>} : memref<64x128xf32, #tpu.memory_space<vmem>>, vector<1x16xf32>,
      %parallel_loop3A_233 = vector.shape_cast %parallel_loop3A_232 : vector<1x16xf32> to vector<16xf32>
      %parallel_loop3A_234 = arith.index_cast %parallel_loop3A_221 : i32 to index
      %parallel_loop3A_235 = arith.constant 0 : index
      %parallel_loop3A_236 = tpu.vector_load %arg11[%parallel_loop3A_234, %parallel_loop3A_235] {strides = array<i32>} : memref<64x128xf32, #tpu.memory_space<vmem>>, vector<1x16xf32>,
      %parallel_loop3A_237 = vector.shape_cast %parallel_loop3A_236 : vector<1x16xf32> to vector<16xf32>
      %parallel_loop3A_238 = arith.mulf %parallel_loop3A_233, %parallel_loop3A_237 : vector<16xf32>
      %parallel_loop3A_239 = arith.addf %parallel_loop3A_222, %parallel_loop3A_238 : vector<16xf32>
      %parallel_loop3A_240 = arith.index_cast %parallel_loop3A_221 : i32 to index
      %parallel_loop3A_241 = arith.constant 16 : index
      %parallel_loop3A_242 = tpu.vector_load %arg7[%parallel_loop3A_240, %parallel_loop3A_241] {strides = array<i32>} : memref<64x128xf32, #tpu.memory_space<vmem>>, vector<1x16xf32>,
      %parallel_loop3A_243 = vector.shape_cast %parallel_loop3A_242 : vector<1x16xf32> to vector<16xf32>
      %parallel_loop3A_244 = arith.index_cast %parallel_loop3A_221 : i32 to index
      %parallel_loop3A_245 = arith.constant 16 : index
      %parallel_loop3A_246 = tpu.vector_load %arg11[%parallel_loop3A_244, %parallel_loop3A_245] {strides = array<i32>} : memref<64x128xf32, #tpu.memory_space<vmem>>, vector<1x16xf32>,
      %parallel_loop3A_247 = vector.shape_cast %parallel_loop3A_246 : vector<1x16xf32> to vector<16xf32>
      %parallel_loop3A_248 = arith.mulf %parallel_loop3A_243, %parallel_loop3A_247 : vector<16xf32>
      %parallel_loop3A_249 = arith.addf %parallel_loop3A_223, %parallel_loop3A_248 : vector<16xf32>
      %parallel_loop3A_250 = arith.index_cast %parallel_loop3A_221 : i32 to index
      %parallel_loop3A_251 = arith.constant 32 : index
      %parallel_loop3A_252 = tpu.vector_load %arg7[%parallel_loop3A_250, %parallel_loop3A_251] {strides = array<i32>} : memref<64x128xf32, #tpu.memory_space<vmem>>, vector<1x16xf32>,
      %parallel_loop3A_253 = vector.shape_cast %parallel_loop3A_252 : vector<1x16xf32> to vector<16xf32>
      %parallel_loop3A_254 = arith.index_cast %parallel_loop3A_221 : i32 to index
      %parallel_loop3A_255 = arith.constant 32 : index
      %parallel_loop3A_256 = tpu.vector_load %arg11[%parallel_loop3A_254, %parallel_loop3A_255] {strides = array<i32>} : memref<64x128xf32, #tpu.memory_space<vmem>>, vector<1x16xf32>,
      %parallel_loop3A_257 = vector.shape_cast %parallel_loop3A_256 : vector<1x16xf32> to vector<16xf32>
      %parallel_loop3A_258 = arith.mulf %parallel_loop3A_253, %parallel_loop3A_257 : vector<16xf32>
      %parallel_loop3A_259 = arith.addf %parallel_loop3A_224, %parallel_loop3A_258 : vector<16xf32>
      %parallel_loop3A_260 = arith.index_cast %parallel_loop3A_221 : i32 to index
      %parallel_loop3A_261 = arith.constant 48 : index
      %parallel_loop3A_262 = tpu.vector_load %arg7[%parallel_loop3A_260, %parallel_loop3A_261] {strides = array<i32>} : memref<64x128xf32, #tpu.memory_space<vmem>>, vector<1x16xf32>,
      %parallel_loop3A_263 = vector.shape_cast %parallel_loop3A_262 : vector<1x16xf32> to vector<16xf32>
      %parallel_loop3A_264 = arith.index_cast %parallel_loop3A_221 : i32 to index
      %parallel_loop3A_265 = arith.constant 48 : index
      %parallel_loop3A_266 = tpu.vector_load %arg11[%parallel_loop3A_264, %parallel_loop3A_265] {strides = array<i32>} : memref<64x128xf32, #tpu.memory_space<vmem>>, vector<1x16xf32>,
      %parallel_loop3A_267 = vector.shape_cast %parallel_loop3A_266 : vector<1x16xf32> to vector<16xf32>
      %parallel_loop3A_268 = arith.mulf %parallel_loop3A_263, %parallel_loop3A_267 : vector<16xf32>
      %parallel_loop3A_269 = arith.addf %parallel_loop3A_225, %parallel_loop3A_268 : vector<16xf32>
      %parallel_loop3A_270 = arith.index_cast %parallel_loop3A_221 : i32 to index
      %parallel_loop3A_271 = arith.constant 64 : index
      %parallel_loop3A_272 = tpu.vector_load %arg7[%parallel_loop3A_270, %parallel_loop3A_271] {strides = array<i32>} : memref<64x128xf32, #tpu.memory_space<vmem>>, vector<1x16xf32>,
      %parallel_loop3A_273 = vector.shape_cast %parallel_loop3A_272 : vector<1x16xf32> to vector<16xf32>
      %parallel_loop3A_274 = arith.index_cast %parallel_loop3A_221 : i32 to index
      %parallel_loop3A_275 = arith.constant 64 : index
      %parallel_loop3A_276 = tpu.vector_load %arg11[%parallel_loop3A_274, %parallel_loop3A_275] {strides = array<i32>} : memref<64x128xf32, #tpu.memory_space<vmem>>, vector<1x16xf32>,
      %parallel_loop3A_277 = vector.shape_cast %parallel_loop3A_276 : vector<1x16xf32> to vector<16xf32>
      %parallel_loop3A_278 = arith.mulf %parallel_loop3A_273, %parallel_loop3A_277 : vector<16xf32>
      %parallel_loop3A_279 = arith.addf %parallel_loop3A_226, %parallel_loop3A_278 : vector<16xf32>
      %parallel_loop3A_280 = arith.index_cast %parallel_loop3A_221 : i32 to index
      %parallel_loop3A_281 = arith.constant 80 : index
      %parallel_loop3A_282 = tpu.vector_load %arg7[%parallel_loop3A_280, %parallel_loop3A_281] {strides = array<i32>} : memref<64x128xf32, #tpu.memory_space<vmem>>, vector<1x16xf32>,
      %parallel_loop3A_283 = vector.shape_cast %parallel_loop3A_282 : vector<1x16xf32> to vector<16xf32>
      %parallel_loop3A_284 = arith.index_cast %parallel_loop3A_221 : i32 to index
      %parallel_loop3A_285 = arith.constant 80 : index
      %parallel_loop3A_286 = tpu.vector_load %arg11[%parallel_loop3A_284, %parallel_loop3A_285] {strides = array<i32>} : memref<64x128xf32, #tpu.memory_space<vmem>>, vector<1x16xf32>,
      %parallel_loop3A_287 = vector.shape_cast %parallel_loop3A_286 : vector<1x16xf32> to vector<16xf32>
      %parallel_loop3A_288 = arith.mulf %parallel_loop3A_283, %parallel_loop3A_287 : vector<16xf32>
      %parallel_loop3A_289 = arith.addf %parallel_loop3A_227, %parallel_loop3A_288 : vector<16xf32>
      %parallel_loop3A_290 = arith.index_cast %parallel_loop3A_221 : i32 to index
      %parallel_loop3A_291 = arith.constant 96 : index
      %parallel_loop3A_292 = tpu.vector_load %arg7[%parallel_loop3A_290, %parallel_loop3A_291] {strides = array<i32>} : memref<64x128xf32, #tpu.memory_space<vmem>>, vector<1x16xf32>,
      %parallel_loop3A_293 = vector.shape_cast %parallel_loop3A_292 : vector<1x16xf32> to vector<16xf32>
      %parallel_loop3A_294 = arith.index_cast %parallel_loop3A_221 : i32 to index
      %parallel_loop3A_295 = arith.constant 96 : index
      %parallel_loop3A_296 = tpu.vector_load %arg11[%parallel_loop3A_294, %parallel_loop3A_295] {strides = array<i32>} : memref<64x128xf32, #tpu.memory_space<vmem>>, vector<1x16xf32>,
      %parallel_loop3A_297 = vector.shape_cast %parallel_loop3A_296 : vector<1x16xf32> to vector<16xf32>
      %parallel_loop3A_298 = arith.mulf %parallel_loop3A_293, %parallel_loop3A_297 : vector<16xf32>
      %parallel_loop3A_299 = arith.addf %parallel_loop3A_228, %parallel_loop3A_298 : vector<16xf32>
      %parallel_loop3A_300 = arith.index_cast %parallel_loop3A_221 : i32 to index
      %parallel_loop3A_301 = arith.constant 112 : index
      %parallel_loop3A_302 = tpu.vector_load %arg7[%parallel_loop3A_300, %parallel_loop3A_301] {strides = array<i32>} : memref<64x128xf32, #tpu.memory_space<vmem>>, vector<1x16xf32>,
      %parallel_loop3A_303 = vector.shape_cast %parallel_loop3A_302 : vector<1x16xf32> to vector<16xf32>
      %parallel_loop3A_304 = arith.index_cast %parallel_loop3A_221 : i32 to index
      %parallel_loop3A_305 = arith.constant 112 : index
      %parallel_loop3A_306 = tpu.vector_load %arg11[%parallel_loop3A_304, %parallel_loop3A_305] {strides = array<i32>} : memref<64x128xf32, #tpu.memory_space<vmem>>, vector<1x16xf32>,
      %parallel_loop3A_307 = vector.shape_cast %parallel_loop3A_306 : vector<1x16xf32> to vector<16xf32>
      %parallel_loop3A_308 = arith.mulf %parallel_loop3A_303, %parallel_loop3A_307 : vector<16xf32>
      %parallel_loop3A_309 = arith.addf %parallel_loop3A_229, %parallel_loop3A_308 : vector<16xf32>
      scf.yield %parallel_loop3A_239, %parallel_loop3A_249, %parallel_loop3A_259, %parallel_loop3A_269, %parallel_loop3A_279, %parallel_loop3A_289, %parallel_loop3A_299, %parallel_loop3A_309 : vector<16xf32>, vector<16xf32>, vector<16xf32>, vector<16xf32>, vector<16xf32>, vector<16xf32>, vector<16xf32>, vector<16xf32>
    } {sc.loop_unroll_factor = 8 : i64, sc.parallel_access}
    %dma_wait3A_172 = arith.constant 320 : i32
    %dma_wait3A_173 = tpu.memref_slice %arg6[%dma_wait3A_172] : memref<512xi32, #tpu.memory_space<vmem>> -> memref<64xi32, #tpu.memory_space<vmem>>
    %dma_wait3A_174 = arith.constant 0 : i32
    %dma_wait3A_175 = arith.constant 0 : i32
    %dma_wait3A_176 = tpu.memref_slice %arg4[%dma_wait3A_174, %dma_wait3A_175] : memref<100000x128xf32, #tpu.memory_space<hbm>> -> memref<100000x128xf32, #tpu.memory_space<hbm>>
    tpu.wait_indirect_dma semaphore(%arg18 : memref<!tpu.dma_semaphore, #tpu.memory_space<semaphore_mem>>) src(%dma_wait3A_176 : memref<100000x128xf32, #tpu.memory_space<hbm>>) dst(%arg8 : memref<64x128xf32, #tpu.memory_space<vmem>>)
    %dma_wait3A_177 = arith.constant 0 : i32
    %dma_wait3A_178 = tpu.memref_slice %arg2[%add3A_115, %dma_wait3A_177] : memref<16384x128xf32, #tpu.memory_space<hbm>> -> memref<64x128xf32, #tpu.memory_space<hbm>>
    %dma_wait3A_179 = arith.constant 0 : i32
    %dma_wait3A_180 = tpu.memref_slice %arg2[%add3A_115, %dma_wait3A_179] : memref<16384x128xf32, #tpu.memory_space<hbm>> -> memref<64x128xf32, #tpu.memory_space<hbm>>
    tpu.wait_dma2 semaphore(%arg22 : memref<!tpu.dma_semaphore, #tpu.memory_space<semaphore_mem>>) src(%dma_wait3A_180 : memref<64x128xf32, #tpu.memory_space<hbm>>) dst(%arg12 : memref<64x128xf32, #tpu.memory_space<vmem>>)
    %parallel_loop3A_181 = arith.constant 0 : i32
    %parallel_loop3A_182 = arith.constant 64 : i32
    %parallel_loop3A_183 = arith.constant 1 : i32
    %parallel_loop3A_184:8 = scf.for %parallel_loop3A_221 = %parallel_loop3A_181 to %parallel_loop3A_182 step %parallel_loop3A_183 iter_args(%parallel_loop3A_222 = %parallel_loop3A_171#0, %parallel_loop3A_223 = %parallel_loop3A_171#1, %parallel_loop3A_224 = %parallel_loop3A_171#2, %parallel_loop3A_225 = %parallel_loop3A_171#3, %parallel_loop3A_226 = %parallel_loop3A_171#4, %parallel_loop3A_227 = %parallel_loop3A_171#5, %parallel_loop3A_228 = %parallel_loop3A_171#6, %parallel_loop3A_229 = %parallel_loop3A_171#7) -> (vector<16xf32>, vector<16xf32>, vector<16xf32>, vector<16xf32>, vector<16xf32>, vector<16xf32>, vector<16xf32>, vector<16xf32>)  : i32 {
      %parallel_loop3A_230 = arith.index_cast %parallel_loop3A_221 : i32 to index
      %parallel_loop3A_231 = arith.constant 0 : index
      %parallel_loop3A_232 = tpu.vector_load %arg8[%parallel_loop3A_230, %parallel_loop3A_231] {strides = array<i32>} : memref<64x128xf32, #tpu.memory_space<vmem>>, vector<1x16xf32>,
      %parallel_loop3A_233 = vector.shape_cast %parallel_loop3A_232 : vector<1x16xf32> to vector<16xf32>
      %parallel_loop3A_234 = arith.index_cast %parallel_loop3A_221 : i32 to index
      %parallel_loop3A_235 = arith.constant 0 : index
      %parallel_loop3A_236 = tpu.vector_load %arg12[%parallel_loop3A_234, %parallel_loop3A_235] {strides = array<i32>} : memref<64x128xf32, #tpu.memory_space<vmem>>, vector<1x16xf32>,
      %parallel_loop3A_237 = vector.shape_cast %parallel_loop3A_236 : vector<1x16xf32> to vector<16xf32>
      %parallel_loop3A_238 = arith.mulf %parallel_loop3A_233, %parallel_loop3A_237 : vector<16xf32>
      %parallel_loop3A_239 = arith.addf %parallel_loop3A_222, %parallel_loop3A_238 : vector<16xf32>
      %parallel_loop3A_240 = arith.index_cast %parallel_loop3A_221 : i32 to index
      %parallel_loop3A_241 = arith.constant 16 : index
      %parallel_loop3A_242 = tpu.vector_load %arg8[%parallel_loop3A_240, %parallel_loop3A_241] {strides = array<i32>} : memref<64x128xf32, #tpu.memory_space<vmem>>, vector<1x16xf32>,
      %parallel_loop3A_243 = vector.shape_cast %parallel_loop3A_242 : vector<1x16xf32> to vector<16xf32>
      %parallel_loop3A_244 = arith.index_cast %parallel_loop3A_221 : i32 to index
      %parallel_loop3A_245 = arith.constant 16 : index
      %parallel_loop3A_246 = tpu.vector_load %arg12[%parallel_loop3A_244, %parallel_loop3A_245] {strides = array<i32>} : memref<64x128xf32, #tpu.memory_space<vmem>>, vector<1x16xf32>,
      %parallel_loop3A_247 = vector.shape_cast %parallel_loop3A_246 : vector<1x16xf32> to vector<16xf32>
      %parallel_loop3A_248 = arith.mulf %parallel_loop3A_243, %parallel_loop3A_247 : vector<16xf32>
      %parallel_loop3A_249 = arith.addf %parallel_loop3A_223, %parallel_loop3A_248 : vector<16xf32>
      %parallel_loop3A_250 = arith.index_cast %parallel_loop3A_221 : i32 to index
      %parallel_loop3A_251 = arith.constant 32 : index
      %parallel_loop3A_252 = tpu.vector_load %arg8[%parallel_loop3A_250, %parallel_loop3A_251] {strides = array<i32>} : memref<64x128xf32, #tpu.memory_space<vmem>>, vector<1x16xf32>,
      %parallel_loop3A_253 = vector.shape_cast %parallel_loop3A_252 : vector<1x16xf32> to vector<16xf32>
      %parallel_loop3A_254 = arith.index_cast %parallel_loop3A_221 : i32 to index
      %parallel_loop3A_255 = arith.constant 32 : index
      %parallel_loop3A_256 = tpu.vector_load %arg12[%parallel_loop3A_254, %parallel_loop3A_255] {strides = array<i32>} : memref<64x128xf32, #tpu.memory_space<vmem>>, vector<1x16xf32>,
      %parallel_loop3A_257 = vector.shape_cast %parallel_loop3A_256 : vector<1x16xf32> to vector<16xf32>
      %parallel_loop3A_258 = arith.mulf %parallel_loop3A_253, %parallel_loop3A_257 : vector<16xf32>
      %parallel_loop3A_259 = arith.addf %parallel_loop3A_224, %parallel_loop3A_258 : vector<16xf32>
      %parallel_loop3A_260 = arith.index_cast %parallel_loop3A_221 : i32 to index
      %parallel_loop3A_261 = arith.constant 48 : index
      %parallel_loop3A_262 = tpu.vector_load %arg8[%parallel_loop3A_260, %parallel_loop3A_261] {strides = array<i32>} : memref<64x128xf32, #tpu.memory_space<vmem>>, vector<1x16xf32>,
      %parallel_loop3A_263 = vector.shape_cast %parallel_loop3A_262 : vector<1x16xf32> to vector<16xf32>
      %parallel_loop3A_264 = arith.index_cast %parallel_loop3A_221 : i32 to index
      %parallel_loop3A_265 = arith.constant 48 : index
      %parallel_loop3A_266 = tpu.vector_load %arg12[%parallel_loop3A_264, %parallel_loop3A_265] {strides = array<i32>} : memref<64x128xf32, #tpu.memory_space<vmem>>, vector<1x16xf32>,
      %parallel_loop3A_267 = vector.shape_cast %parallel_loop3A_266 : vector<1x16xf32> to vector<16xf32>
      %parallel_loop3A_268 = arith.mulf %parallel_loop3A_263, %parallel_loop3A_267 : vector<16xf32>
      %parallel_loop3A_269 = arith.addf %parallel_loop3A_225, %parallel_loop3A_268 : vector<16xf32>
      %parallel_loop3A_270 = arith.index_cast %parallel_loop3A_221 : i32 to index
      %parallel_loop3A_271 = arith.constant 64 : index
      %parallel_loop3A_272 = tpu.vector_load %arg8[%parallel_loop3A_270, %parallel_loop3A_271] {strides = array<i32>} : memref<64x128xf32, #tpu.memory_space<vmem>>, vector<1x16xf32>,
      %parallel_loop3A_273 = vector.shape_cast %parallel_loop3A_272 : vector<1x16xf32> to vector<16xf32>
      %parallel_loop3A_274 = arith.index_cast %parallel_loop3A_221 : i32 to index
      %parallel_loop3A_275 = arith.constant 64 : index
      %parallel_loop3A_276 = tpu.vector_load %arg12[%parallel_loop3A_274, %parallel_loop3A_275] {strides = array<i32>} : memref<64x128xf32, #tpu.memory_space<vmem>>, vector<1x16xf32>,
      %parallel_loop3A_277 = vector.shape_cast %parallel_loop3A_276 : vector<1x16xf32> to vector<16xf32>
      %parallel_loop3A_278 = arith.mulf %parallel_loop3A_273, %parallel_loop3A_277 : vector<16xf32>
      %parallel_loop3A_279 = arith.addf %parallel_loop3A_226, %parallel_loop3A_278 : vector<16xf32>
      %parallel_loop3A_280 = arith.index_cast %parallel_loop3A_221 : i32 to index
      %parallel_loop3A_281 = arith.constant 80 : index
      %parallel_loop3A_282 = tpu.vector_load %arg8[%parallel_loop3A_280, %parallel_loop3A_281] {strides = array<i32>} : memref<64x128xf32, #tpu.memory_space<vmem>>, vector<1x16xf32>,
      %parallel_loop3A_283 = vector.shape_cast %parallel_loop3A_282 : vector<1x16xf32> to vector<16xf32>
      %parallel_loop3A_284 = arith.index_cast %parallel_loop3A_221 : i32 to index
      %parallel_loop3A_285 = arith.constant 80 : index
      %parallel_loop3A_286 = tpu.vector_load %arg12[%parallel_loop3A_284, %parallel_loop3A_285] {strides = array<i32>} : memref<64x128xf32, #tpu.memory_space<vmem>>, vector<1x16xf32>,
      %parallel_loop3A_287 = vector.shape_cast %parallel_loop3A_286 : vector<1x16xf32> to vector<16xf32>
      %parallel_loop3A_288 = arith.mulf %parallel_loop3A_283, %parallel_loop3A_287 : vector<16xf32>
      %parallel_loop3A_289 = arith.addf %parallel_loop3A_227, %parallel_loop3A_288 : vector<16xf32>
      %parallel_loop3A_290 = arith.index_cast %parallel_loop3A_221 : i32 to index
      %parallel_loop3A_291 = arith.constant 96 : index
      %parallel_loop3A_292 = tpu.vector_load %arg8[%parallel_loop3A_290, %parallel_loop3A_291] {strides = array<i32>} : memref<64x128xf32, #tpu.memory_space<vmem>>, vector<1x16xf32>,
      %parallel_loop3A_293 = vector.shape_cast %parallel_loop3A_292 : vector<1x16xf32> to vector<16xf32>
      %parallel_loop3A_294 = arith.index_cast %parallel_loop3A_221 : i32 to index
      %parallel_loop3A_295 = arith.constant 96 : index
      %parallel_loop3A_296 = tpu.vector_load %arg12[%parallel_loop3A_294, %parallel_loop3A_295] {strides = array<i32>} : memref<64x128xf32, #tpu.memory_space<vmem>>, vector<1x16xf32>,
      %parallel_loop3A_297 = vector.shape_cast %parallel_loop3A_296 : vector<1x16xf32> to vector<16xf32>
      %parallel_loop3A_298 = arith.mulf %parallel_loop3A_293, %parallel_loop3A_297 : vector<16xf32>
      %parallel_loop3A_299 = arith.addf %parallel_loop3A_228, %parallel_loop3A_298 : vector<16xf32>
      %parallel_loop3A_300 = arith.index_cast %parallel_loop3A_221 : i32 to index
      %parallel_loop3A_301 = arith.constant 112 : index
      %parallel_loop3A_302 = tpu.vector_load %arg8[%parallel_loop3A_300, %parallel_loop3A_301] {strides = array<i32>} : memref<64x128xf32, #tpu.memory_space<vmem>>, vector<1x16xf32>,
      %parallel_loop3A_303 = vector.shape_cast %parallel_loop3A_302 : vector<1x16xf32> to vector<16xf32>
      %parallel_loop3A_304 = arith.index_cast %parallel_loop3A_221 : i32 to index
      %parallel_loop3A_305 = arith.constant 112 : index
      %parallel_loop3A_306 = tpu.vector_load %arg12[%parallel_loop3A_304, %parallel_loop3A_305] {strides = array<i32>} : memref<64x128xf32, #tpu.memory_space<vmem>>, vector<1x16xf32>,
      %parallel_loop3A_307 = vector.shape_cast %parallel_loop3A_306 : vector<1x16xf32> to vector<16xf32>
      %parallel_loop3A_308 = arith.mulf %parallel_loop3A_303, %parallel_loop3A_307 : vector<16xf32>
      %parallel_loop3A_309 = arith.addf %parallel_loop3A_229, %parallel_loop3A_308 : vector<16xf32>
      scf.yield %parallel_loop3A_239, %parallel_loop3A_249, %parallel_loop3A_259, %parallel_loop3A_269, %parallel_loop3A_279, %parallel_loop3A_289, %parallel_loop3A_299, %parallel_loop3A_309 : vector<16xf32>, vector<16xf32>, vector<16xf32>, vector<16xf32>, vector<16xf32>, vector<16xf32>, vector<16xf32>, vector<16xf32>
    } {sc.loop_unroll_factor = 8 : i64, sc.parallel_access}
    %dma_wait3A_185 = arith.constant 384 : i32
    %dma_wait3A_186 = tpu.memref_slice %arg6[%dma_wait3A_185] : memref<512xi32, #tpu.memory_space<vmem>> -> memref<64xi32, #tpu.memory_space<vmem>>
    %dma_wait3A_187 = arith.constant 0 : i32
    %dma_wait3A_188 = arith.constant 0 : i32
    %dma_wait3A_189 = tpu.memref_slice %arg4[%dma_wait3A_187, %dma_wait3A_188] : memref<100000x128xf32, #tpu.memory_space<hbm>> -> memref<100000x128xf32, #tpu.memory_space<hbm>>
    tpu.wait_indirect_dma semaphore(%arg19 : memref<!tpu.dma_semaphore, #tpu.memory_space<semaphore_mem>>) src(%dma_wait3A_189 : memref<100000x128xf32, #tpu.memory_space<hbm>>) dst(%arg9 : memref<64x128xf32, #tpu.memory_space<vmem>>)
    %dma_wait3A_190 = arith.constant 0 : i32
    %dma_wait3A_191 = tpu.memref_slice %arg2[%add3A_139, %dma_wait3A_190] : memref<16384x128xf32, #tpu.memory_space<hbm>> -> memref<64x128xf32, #tpu.memory_space<hbm>>
    %dma_wait3A_192 = arith.constant 0 : i32
    %dma_wait3A_193 = tpu.memref_slice %arg2[%add3A_139, %dma_wait3A_192] : memref<16384x128xf32, #tpu.memory_space<hbm>> -> memref<64x128xf32, #tpu.memory_space<hbm>>
    tpu.wait_dma2 semaphore(%arg23 : memref<!tpu.dma_semaphore, #tpu.memory_space<semaphore_mem>>) src(%dma_wait3A_193 : memref<64x128xf32, #tpu.memory_space<hbm>>) dst(%arg13 : memref<64x128xf32, #tpu.memory_space<vmem>>)
    %parallel_loop3A_194 = arith.constant 0 : i32
    %parallel_loop3A_195 = arith.constant 64 : i32
    %parallel_loop3A_196 = arith.constant 1 : i32
    %parallel_loop3A_197:8 = scf.for %parallel_loop3A_221 = %parallel_loop3A_194 to %parallel_loop3A_195 step %parallel_loop3A_196 iter_args(%parallel_loop3A_222 = %parallel_loop3A_184#0, %parallel_loop3A_223 = %parallel_loop3A_184#1, %parallel_loop3A_224 = %parallel_loop3A_184#2, %parallel_loop3A_225 = %parallel_loop3A_184#3, %parallel_loop3A_226 = %parallel_loop3A_184#4, %parallel_loop3A_227 = %parallel_loop3A_184#5, %parallel_loop3A_228 = %parallel_loop3A_184#6, %parallel_loop3A_229 = %parallel_loop3A_184#7) -> (vector<16xf32>, vector<16xf32>, vector<16xf32>, vector<16xf32>, vector<16xf32>, vector<16xf32>, vector<16xf32>, vector<16xf32>)  : i32 {
      %parallel_loop3A_230 = arith.index_cast %parallel_loop3A_221 : i32 to index
      %parallel_loop3A_231 = arith.constant 0 : index
      %parallel_loop3A_232 = tpu.vector_load %arg9[%parallel_loop3A_230, %parallel_loop3A_231] {strides = array<i32>} : memref<64x128xf32, #tpu.memory_space<vmem>>, vector<1x16xf32>,
      %parallel_loop3A_233 = vector.shape_cast %parallel_loop3A_232 : vector<1x16xf32> to vector<16xf32>
      %parallel_loop3A_234 = arith.index_cast %parallel_loop3A_221 : i32 to index
      %parallel_loop3A_235 = arith.constant 0 : index
      %parallel_loop3A_236 = tpu.vector_load %arg13[%parallel_loop3A_234, %parallel_loop3A_235] {strides = array<i32>} : memref<64x128xf32, #tpu.memory_space<vmem>>, vector<1x16xf32>,
      %parallel_loop3A_237 = vector.shape_cast %parallel_loop3A_236 : vector<1x16xf32> to vector<16xf32>
      %parallel_loop3A_238 = arith.mulf %parallel_loop3A_233, %parallel_loop3A_237 : vector<16xf32>
      %parallel_loop3A_239 = arith.addf %parallel_loop3A_222, %parallel_loop3A_238 : vector<16xf32>
      %parallel_loop3A_240 = arith.index_cast %parallel_loop3A_221 : i32 to index
      %parallel_loop3A_241 = arith.constant 16 : index
      %parallel_loop3A_242 = tpu.vector_load %arg9[%parallel_loop3A_240, %parallel_loop3A_241] {strides = array<i32>} : memref<64x128xf32, #tpu.memory_space<vmem>>, vector<1x16xf32>,
      %parallel_loop3A_243 = vector.shape_cast %parallel_loop3A_242 : vector<1x16xf32> to vector<16xf32>
      %parallel_loop3A_244 = arith.index_cast %parallel_loop3A_221 : i32 to index
      %parallel_loop3A_245 = arith.constant 16 : index
      %parallel_loop3A_246 = tpu.vector_load %arg13[%parallel_loop3A_244, %parallel_loop3A_245] {strides = array<i32>} : memref<64x128xf32, #tpu.memory_space<vmem>>, vector<1x16xf32>,
      %parallel_loop3A_247 = vector.shape_cast %parallel_loop3A_246 : vector<1x16xf32> to vector<16xf32>
      %parallel_loop3A_248 = arith.mulf %parallel_loop3A_243, %parallel_loop3A_247 : vector<16xf32>
      %parallel_loop3A_249 = arith.addf %parallel_loop3A_223, %parallel_loop3A_248 : vector<16xf32>
      %parallel_loop3A_250 = arith.index_cast %parallel_loop3A_221 : i32 to index
      %parallel_loop3A_251 = arith.constant 32 : index
      %parallel_loop3A_252 = tpu.vector_load %arg9[%parallel_loop3A_250, %parallel_loop3A_251] {strides = array<i32>} : memref<64x128xf32, #tpu.memory_space<vmem>>, vector<1x16xf32>,
      %parallel_loop3A_253 = vector.shape_cast %parallel_loop3A_252 : vector<1x16xf32> to vector<16xf32>
      %parallel_loop3A_254 = arith.index_cast %parallel_loop3A_221 : i32 to index
      %parallel_loop3A_255 = arith.constant 32 : index
      %parallel_loop3A_256 = tpu.vector_load %arg13[%parallel_loop3A_254, %parallel_loop3A_255] {strides = array<i32>} : memref<64x128xf32, #tpu.memory_space<vmem>>, vector<1x16xf32>,
      %parallel_loop3A_257 = vector.shape_cast %parallel_loop3A_256 : vector<1x16xf32> to vector<16xf32>
      %parallel_loop3A_258 = arith.mulf %parallel_loop3A_253, %parallel_loop3A_257 : vector<16xf32>
      %parallel_loop3A_259 = arith.addf %parallel_loop3A_224, %parallel_loop3A_258 : vector<16xf32>
      %parallel_loop3A_260 = arith.index_cast %parallel_loop3A_221 : i32 to index
      %parallel_loop3A_261 = arith.constant 48 : index
      %parallel_loop3A_262 = tpu.vector_load %arg9[%parallel_loop3A_260, %parallel_loop3A_261] {strides = array<i32>} : memref<64x128xf32, #tpu.memory_space<vmem>>, vector<1x16xf32>,
      %parallel_loop3A_263 = vector.shape_cast %parallel_loop3A_262 : vector<1x16xf32> to vector<16xf32>
      %parallel_loop3A_264 = arith.index_cast %parallel_loop3A_221 : i32 to index
      %parallel_loop3A_265 = arith.constant 48 : index
      %parallel_loop3A_266 = tpu.vector_load %arg13[%parallel_loop3A_264, %parallel_loop3A_265] {strides = array<i32>} : memref<64x128xf32, #tpu.memory_space<vmem>>, vector<1x16xf32>,
      %parallel_loop3A_267 = vector.shape_cast %parallel_loop3A_266 : vector<1x16xf32> to vector<16xf32>
      %parallel_loop3A_268 = arith.mulf %parallel_loop3A_263, %parallel_loop3A_267 : vector<16xf32>
      %parallel_loop3A_269 = arith.addf %parallel_loop3A_225, %parallel_loop3A_268 : vector<16xf32>
      %parallel_loop3A_270 = arith.index_cast %parallel_loop3A_221 : i32 to index
      %parallel_loop3A_271 = arith.constant 64 : index
      %parallel_loop3A_272 = tpu.vector_load %arg9[%parallel_loop3A_270, %parallel_loop3A_271] {strides = array<i32>} : memref<64x128xf32, #tpu.memory_space<vmem>>, vector<1x16xf32>,
      %parallel_loop3A_273 = vector.shape_cast %parallel_loop3A_272 : vector<1x16xf32> to vector<16xf32>
      %parallel_loop3A_274 = arith.index_cast %parallel_loop3A_221 : i32 to index
      %parallel_loop3A_275 = arith.constant 64 : index
      %parallel_loop3A_276 = tpu.vector_load %arg13[%parallel_loop3A_274, %parallel_loop3A_275] {strides = array<i32>} : memref<64x128xf32, #tpu.memory_space<vmem>>, vector<1x16xf32>,
      %parallel_loop3A_277 = vector.shape_cast %parallel_loop3A_276 : vector<1x16xf32> to vector<16xf32>
      %parallel_loop3A_278 = arith.mulf %parallel_loop3A_273, %parallel_loop3A_277 : vector<16xf32>
      %parallel_loop3A_279 = arith.addf %parallel_loop3A_226, %parallel_loop3A_278 : vector<16xf32>
      %parallel_loop3A_280 = arith.index_cast %parallel_loop3A_221 : i32 to index
      %parallel_loop3A_281 = arith.constant 80 : index
      %parallel_loop3A_282 = tpu.vector_load %arg9[%parallel_loop3A_280, %parallel_loop3A_281] {strides = array<i32>} : memref<64x128xf32, #tpu.memory_space<vmem>>, vector<1x16xf32>,
      %parallel_loop3A_283 = vector.shape_cast %parallel_loop3A_282 : vector<1x16xf32> to vector<16xf32>
      %parallel_loop3A_284 = arith.index_cast %parallel_loop3A_221 : i32 to index
      %parallel_loop3A_285 = arith.constant 80 : index
      %parallel_loop3A_286 = tpu.vector_load %arg13[%parallel_loop3A_284, %parallel_loop3A_285] {strides = array<i32>} : memref<64x128xf32, #tpu.memory_space<vmem>>, vector<1x16xf32>,
      %parallel_loop3A_287 = vector.shape_cast %parallel_loop3A_286 : vector<1x16xf32> to vector<16xf32>
      %parallel_loop3A_288 = arith.mulf %parallel_loop3A_283, %parallel_loop3A_287 : vector<16xf32>
      %parallel_loop3A_289 = arith.addf %parallel_loop3A_227, %parallel_loop3A_288 : vector<16xf32>
      %parallel_loop3A_290 = arith.index_cast %parallel_loop3A_221 : i32 to index
      %parallel_loop3A_291 = arith.constant 96 : index
      %parallel_loop3A_292 = tpu.vector_load %arg9[%parallel_loop3A_290, %parallel_loop3A_291] {strides = array<i32>} : memref<64x128xf32, #tpu.memory_space<vmem>>, vector<1x16xf32>,
      %parallel_loop3A_293 = vector.shape_cast %parallel_loop3A_292 : vector<1x16xf32> to vector<16xf32>
      %parallel_loop3A_294 = arith.index_cast %parallel_loop3A_221 : i32 to index
      %parallel_loop3A_295 = arith.constant 96 : index
      %parallel_loop3A_296 = tpu.vector_load %arg13[%parallel_loop3A_294, %parallel_loop3A_295] {strides = array<i32>} : memref<64x128xf32, #tpu.memory_space<vmem>>, vector<1x16xf32>,
      %parallel_loop3A_297 = vector.shape_cast %parallel_loop3A_296 : vector<1x16xf32> to vector<16xf32>
      %parallel_loop3A_298 = arith.mulf %parallel_loop3A_293, %parallel_loop3A_297 : vector<16xf32>
      %parallel_loop3A_299 = arith.addf %parallel_loop3A_228, %parallel_loop3A_298 : vector<16xf32>
      %parallel_loop3A_300 = arith.index_cast %parallel_loop3A_221 : i32 to index
      %parallel_loop3A_301 = arith.constant 112 : index
      %parallel_loop3A_302 = tpu.vector_load %arg9[%parallel_loop3A_300, %parallel_loop3A_301] {strides = array<i32>} : memref<64x128xf32, #tpu.memory_space<vmem>>, vector<1x16xf32>,
      %parallel_loop3A_303 = vector.shape_cast %parallel_loop3A_302 : vector<1x16xf32> to vector<16xf32>
      %parallel_loop3A_304 = arith.index_cast %parallel_loop3A_221 : i32 to index
      %parallel_loop3A_305 = arith.constant 112 : index
      %parallel_loop3A_306 = tpu.vector_load %arg13[%parallel_loop3A_304, %parallel_loop3A_305] {strides = array<i32>} : memref<64x128xf32, #tpu.memory_space<vmem>>, vector<1x16xf32>,
      %parallel_loop3A_307 = vector.shape_cast %parallel_loop3A_306 : vector<1x16xf32> to vector<16xf32>
      %parallel_loop3A_308 = arith.mulf %parallel_loop3A_303, %parallel_loop3A_307 : vector<16xf32>
      %parallel_loop3A_309 = arith.addf %parallel_loop3A_229, %parallel_loop3A_308 : vector<16xf32>
      scf.yield %parallel_loop3A_239, %parallel_loop3A_249, %parallel_loop3A_259, %parallel_loop3A_269, %parallel_loop3A_279, %parallel_loop3A_289, %parallel_loop3A_299, %parallel_loop3A_309 : vector<16xf32>, vector<16xf32>, vector<16xf32>, vector<16xf32>, vector<16xf32>, vector<16xf32>, vector<16xf32>, vector<16xf32>
    } {sc.loop_unroll_factor = 8 : i64, sc.parallel_access}
    %dma_wait3A_198 = arith.constant 448 : i32
    %dma_wait3A_199 = tpu.memref_slice %arg6[%dma_wait3A_198] : memref<512xi32, #tpu.memory_space<vmem>> -> memref<64xi32, #tpu.memory_space<vmem>>
    %dma_wait3A_200 = arith.constant 0 : i32
    %dma_wait3A_201 = arith.constant 0 : i32
    %dma_wait3A_202 = tpu.memref_slice %arg4[%dma_wait3A_200, %dma_wait3A_201] : memref<100000x128xf32, #tpu.memory_space<hbm>> -> memref<100000x128xf32, #tpu.memory_space<hbm>>
    tpu.wait_indirect_dma semaphore(%arg20 : memref<!tpu.dma_semaphore, #tpu.memory_space<semaphore_mem>>) src(%dma_wait3A_202 : memref<100000x128xf32, #tpu.memory_space<hbm>>) dst(%arg10 : memref<64x128xf32, #tpu.memory_space<vmem>>)
    %dma_wait3A_203 = arith.constant 0 : i32
    %dma_wait3A_204 = tpu.memref_slice %arg2[%add3A_163, %dma_wait3A_203] : memref<16384x128xf32, #tpu.memory_space<hbm>> -> memref<64x128xf32, #tpu.memory_space<hbm>>
    %dma_wait3A_205 = arith.constant 0 : i32
    %dma_wait3A_206 = tpu.memref_slice %arg2[%add3A_163, %dma_wait3A_205] : memref<16384x128xf32, #tpu.memory_space<hbm>> -> memref<64x128xf32, #tpu.memory_space<hbm>>
    tpu.wait_dma2 semaphore(%arg24 : memref<!tpu.dma_semaphore, #tpu.memory_space<semaphore_mem>>) src(%dma_wait3A_206 : memref<64x128xf32, #tpu.memory_space<hbm>>) dst(%arg14 : memref<64x128xf32, #tpu.memory_space<vmem>>)
    %parallel_loop3A_207 = arith.constant 0 : i32
    %parallel_loop3A_208 = arith.constant 64 : i32
    %parallel_loop3A_209 = arith.constant 1 : i32
    %parallel_loop3A_210:8 = scf.for %parallel_loop3A_221 = %parallel_loop3A_207 to %parallel_loop3A_208 step %parallel_loop3A_209 iter_args(%parallel_loop3A_222 = %parallel_loop3A_197#0, %parallel_loop3A_223 = %parallel_loop3A_197#1, %parallel_loop3A_224 = %parallel_loop3A_197#2, %parallel_loop3A_225 = %parallel_loop3A_197#3, %parallel_loop3A_226 = %parallel_loop3A_197#4, %parallel_loop3A_227 = %parallel_loop3A_197#5, %parallel_loop3A_228 = %parallel_loop3A_197#6, %parallel_loop3A_229 = %parallel_loop3A_197#7) -> (vector<16xf32>, vector<16xf32>, vector<16xf32>, vector<16xf32>, vector<16xf32>, vector<16xf32>, vector<16xf32>, vector<16xf32>)  : i32 {
      %parallel_loop3A_230 = arith.index_cast %parallel_loop3A_221 : i32 to index
      %parallel_loop3A_231 = arith.constant 0 : index
      %parallel_loop3A_232 = tpu.vector_load %arg10[%parallel_loop3A_230, %parallel_loop3A_231] {strides = array<i32>} : memref<64x128xf32, #tpu.memory_space<vmem>>, vector<1x16xf32>,
      %parallel_loop3A_233 = vector.shape_cast %parallel_loop3A_232 : vector<1x16xf32> to vector<16xf32>
      %parallel_loop3A_234 = arith.index_cast %parallel_loop3A_221 : i32 to index
      %parallel_loop3A_235 = arith.constant 0 : index
      %parallel_loop3A_236 = tpu.vector_load %arg14[%parallel_loop3A_234, %parallel_loop3A_235] {strides = array<i32>} : memref<64x128xf32, #tpu.memory_space<vmem>>, vector<1x16xf32>,
      %parallel_loop3A_237 = vector.shape_cast %parallel_loop3A_236 : vector<1x16xf32> to vector<16xf32>
      %parallel_loop3A_238 = arith.mulf %parallel_loop3A_233, %parallel_loop3A_237 : vector<16xf32>
      %parallel_loop3A_239 = arith.addf %parallel_loop3A_222, %parallel_loop3A_238 : vector<16xf32>
      %parallel_loop3A_240 = arith.index_cast %parallel_loop3A_221 : i32 to index
      %parallel_loop3A_241 = arith.constant 16 : index
      %parallel_loop3A_242 = tpu.vector_load %arg10[%parallel_loop3A_240, %parallel_loop3A_241] {strides = array<i32>} : memref<64x128xf32, #tpu.memory_space<vmem>>, vector<1x16xf32>,
      %parallel_loop3A_243 = vector.shape_cast %parallel_loop3A_242 : vector<1x16xf32> to vector<16xf32>
      %parallel_loop3A_244 = arith.index_cast %parallel_loop3A_221 : i32 to index
      %parallel_loop3A_245 = arith.constant 16 : index
      %parallel_loop3A_246 = tpu.vector_load %arg14[%parallel_loop3A_244, %parallel_loop3A_245] {strides = array<i32>} : memref<64x128xf32, #tpu.memory_space<vmem>>, vector<1x16xf32>,
      %parallel_loop3A_247 = vector.shape_cast %parallel_loop3A_246 : vector<1x16xf32> to vector<16xf32>
      %parallel_loop3A_248 = arith.mulf %parallel_loop3A_243, %parallel_loop3A_247 : vector<16xf32>
      %parallel_loop3A_249 = arith.addf %parallel_loop3A_223, %parallel_loop3A_248 : vector<16xf32>
      %parallel_loop3A_250 = arith.index_cast %parallel_loop3A_221 : i32 to index
      %parallel_loop3A_251 = arith.constant 32 : index
      %parallel_loop3A_252 = tpu.vector_load %arg10[%parallel_loop3A_250, %parallel_loop3A_251] {strides = array<i32>} : memref<64x128xf32, #tpu.memory_space<vmem>>, vector<1x16xf32>,
      %parallel_loop3A_253 = vector.shape_cast %parallel_loop3A_252 : vector<1x16xf32> to vector<16xf32>
      %parallel_loop3A_254 = arith.index_cast %parallel_loop3A_221 : i32 to index
      %parallel_loop3A_255 = arith.constant 32 : index
      %parallel_loop3A_256 = tpu.vector_load %arg14[%parallel_loop3A_254, %parallel_loop3A_255] {strides = array<i32>} : memref<64x128xf32, #tpu.memory_space<vmem>>, vector<1x16xf32>,
      %parallel_loop3A_257 = vector.shape_cast %parallel_loop3A_256 : vector<1x16xf32> to vector<16xf32>
      %parallel_loop3A_258 = arith.mulf %parallel_loop3A_253, %parallel_loop3A_257 : vector<16xf32>
      %parallel_loop3A_259 = arith.addf %parallel_loop3A_224, %parallel_loop3A_258 : vector<16xf32>
      %parallel_loop3A_260 = arith.index_cast %parallel_loop3A_221 : i32 to index
      %parallel_loop3A_261 = arith.constant 48 : index
      %parallel_loop3A_262 = tpu.vector_load %arg10[%parallel_loop3A_260, %parallel_loop3A_261] {strides = array<i32>} : memref<64x128xf32, #tpu.memory_space<vmem>>, vector<1x16xf32>,
      %parallel_loop3A_263 = vector.shape_cast %parallel_loop3A_262 : vector<1x16xf32> to vector<16xf32>
      %parallel_loop3A_264 = arith.index_cast %parallel_loop3A_221 : i32 to index
      %parallel_loop3A_265 = arith.constant 48 : index
      %parallel_loop3A_266 = tpu.vector_load %arg14[%parallel_loop3A_264, %parallel_loop3A_265] {strides = array<i32>} : memref<64x128xf32, #tpu.memory_space<vmem>>, vector<1x16xf32>,
      %parallel_loop3A_267 = vector.shape_cast %parallel_loop3A_266 : vector<1x16xf32> to vector<16xf32>
      %parallel_loop3A_268 = arith.mulf %parallel_loop3A_263, %parallel_loop3A_267 : vector<16xf32>
      %parallel_loop3A_269 = arith.addf %parallel_loop3A_225, %parallel_loop3A_268 : vector<16xf32>
      %parallel_loop3A_270 = arith.index_cast %parallel_loop3A_221 : i32 to index
      %parallel_loop3A_271 = arith.constant 64 : index
      %parallel_loop3A_272 = tpu.vector_load %arg10[%parallel_loop3A_270, %parallel_loop3A_271] {strides = array<i32>} : memref<64x128xf32, #tpu.memory_space<vmem>>, vector<1x16xf32>,
      %parallel_loop3A_273 = vector.shape_cast %parallel_loop3A_272 : vector<1x16xf32> to vector<16xf32>
      %parallel_loop3A_274 = arith.index_cast %parallel_loop3A_221 : i32 to index
      %parallel_loop3A_275 = arith.constant 64 : index
      %parallel_loop3A_276 = tpu.vector_load %arg14[%parallel_loop3A_274, %parallel_loop3A_275] {strides = array<i32>} : memref<64x128xf32, #tpu.memory_space<vmem>>, vector<1x16xf32>,
      %parallel_loop3A_277 = vector.shape_cast %parallel_loop3A_276 : vector<1x16xf32> to vector<16xf32>
      %parallel_loop3A_278 = arith.mulf %parallel_loop3A_273, %parallel_loop3A_277 : vector<16xf32>
      %parallel_loop3A_279 = arith.addf %parallel_loop3A_226, %parallel_loop3A_278 : vector<16xf32>
      %parallel_loop3A_280 = arith.index_cast %parallel_loop3A_221 : i32 to index
      %parallel_loop3A_281 = arith.constant 80 : index
      %parallel_loop3A_282 = tpu.vector_load %arg10[%parallel_loop3A_280, %parallel_loop3A_281] {strides = array<i32>} : memref<64x128xf32, #tpu.memory_space<vmem>>, vector<1x16xf32>,
      %parallel_loop3A_283 = vector.shape_cast %parallel_loop3A_282 : vector<1x16xf32> to vector<16xf32>
      %parallel_loop3A_284 = arith.index_cast %parallel_loop3A_221 : i32 to index
      %parallel_loop3A_285 = arith.constant 80 : index
      %parallel_loop3A_286 = tpu.vector_load %arg14[%parallel_loop3A_284, %parallel_loop3A_285] {strides = array<i32>} : memref<64x128xf32, #tpu.memory_space<vmem>>, vector<1x16xf32>,
      %parallel_loop3A_287 = vector.shape_cast %parallel_loop3A_286 : vector<1x16xf32> to vector<16xf32>
      %parallel_loop3A_288 = arith.mulf %parallel_loop3A_283, %parallel_loop3A_287 : vector<16xf32>
      %parallel_loop3A_289 = arith.addf %parallel_loop3A_227, %parallel_loop3A_288 : vector<16xf32>
      %parallel_loop3A_290 = arith.index_cast %parallel_loop3A_221 : i32 to index
      %parallel_loop3A_291 = arith.constant 96 : index
      %parallel_loop3A_292 = tpu.vector_load %arg10[%parallel_loop3A_290, %parallel_loop3A_291] {strides = array<i32>} : memref<64x128xf32, #tpu.memory_space<vmem>>, vector<1x16xf32>,
      %parallel_loop3A_293 = vector.shape_cast %parallel_loop3A_292 : vector<1x16xf32> to vector<16xf32>
      %parallel_loop3A_294 = arith.index_cast %parallel_loop3A_221 : i32 to index
      %parallel_loop3A_295 = arith.constant 96 : index
      %parallel_loop3A_296 = tpu.vector_load %arg14[%parallel_loop3A_294, %parallel_loop3A_295] {strides = array<i32>} : memref<64x128xf32, #tpu.memory_space<vmem>>, vector<1x16xf32>,
      %parallel_loop3A_297 = vector.shape_cast %parallel_loop3A_296 : vector<1x16xf32> to vector<16xf32>
      %parallel_loop3A_298 = arith.mulf %parallel_loop3A_293, %parallel_loop3A_297 : vector<16xf32>
      %parallel_loop3A_299 = arith.addf %parallel_loop3A_228, %parallel_loop3A_298 : vector<16xf32>
      %parallel_loop3A_300 = arith.index_cast %parallel_loop3A_221 : i32 to index
      %parallel_loop3A_301 = arith.constant 112 : index
      %parallel_loop3A_302 = tpu.vector_load %arg10[%parallel_loop3A_300, %parallel_loop3A_301] {strides = array<i32>} : memref<64x128xf32, #tpu.memory_space<vmem>>, vector<1x16xf32>,
      %parallel_loop3A_303 = vector.shape_cast %parallel_loop3A_302 : vector<1x16xf32> to vector<16xf32>
      %parallel_loop3A_304 = arith.index_cast %parallel_loop3A_221 : i32 to index
      %parallel_loop3A_305 = arith.constant 112 : index
      %parallel_loop3A_306 = tpu.vector_load %arg14[%parallel_loop3A_304, %parallel_loop3A_305] {strides = array<i32>} : memref<64x128xf32, #tpu.memory_space<vmem>>, vector<1x16xf32>,
      %parallel_loop3A_307 = vector.shape_cast %parallel_loop3A_306 : vector<1x16xf32> to vector<16xf32>
      %parallel_loop3A_308 = arith.mulf %parallel_loop3A_303, %parallel_loop3A_307 : vector<16xf32>
      %parallel_loop3A_309 = arith.addf %parallel_loop3A_229, %parallel_loop3A_308 : vector<16xf32>
      scf.yield %parallel_loop3A_239, %parallel_loop3A_249, %parallel_loop3A_259, %parallel_loop3A_269, %parallel_loop3A_279, %parallel_loop3A_289, %parallel_loop3A_299, %parallel_loop3A_309 : vector<16xf32>, vector<16xf32>, vector<16xf32>, vector<16xf32>, vector<16xf32>, vector<16xf32>, vector<16xf32>, vector<16xf32>
    } {sc.loop_unroll_factor = 8 : i64, sc.parallel_access}
    %add3A_211 = arith.addf %parallel_loop3A_210#0, %parallel_loop3A_210#1 : vector<16xf32>
    %add3A_212 = arith.addf %add3A_211, %parallel_loop3A_210#2 : vector<16xf32>
    %add3A_213 = arith.addf %add3A_212, %parallel_loop3A_210#3 : vector<16xf32>
    %add3A_214 = arith.addf %add3A_213, %parallel_loop3A_210#4 : vector<16xf32>
    %add3A_215 = arith.addf %add3A_214, %parallel_loop3A_210#5 : vector<16xf32>
    %add3A_216 = arith.addf %add3A_215, %parallel_loop3A_210#6 : vector<16xf32>
    %add3A_217 = arith.addf %add3A_216, %parallel_loop3A_210#7 : vector<16xf32>
    %swap3A = arith.constant 0 : index
    %swap3A_218 = tpu.vector_load %arg15[%swap3A] {strides = array<i32>} : memref<16xf32, #tpu.memory_space<vmem>>, vector<16xf32>,
    %swap3A_219 = vector.shape_cast %swap3A_218 : vector<16xf32> to vector<16xf32>
    %swap3A_220 = vector.shape_cast %add3A_217 : vector<16xf32> to vector<16xf32>
    tpu.vector_store %arg15[%swap3A], %swap3A_220 {strides = array<i32>} : memref<16xf32, #tpu.memory_space<vmem>>, vector<16xf32>,
    "tpu.region"() ({
      %run_scoped3A = tpu.sem_alloc : memref<!tpu.dma_semaphore, #tpu.memory_space<semaphore_mem>>
      %dma_start3A_221 = arith.constant 0 : i32
      %dma_start3A_222 = tpu.memref_slice %arg5[%add3A, %dma_start3A_221] : memref<32x16xf32, #tpu.memory_space<hbm>> -> memref<1x16xf32, #tpu.memory_space<hbm>>
      %dma_start3A_223 = tpu.memref_squeeze %dma_start3A_222 : memref<1x16xf32, #tpu.memory_space<hbm>> -> memref<16xf32, #tpu.memory_space<hbm>>
      %dma_start3A_224 = arith.constant 0 : i32
      %dma_start3A_225 = tpu.memref_slice %arg5[%add3A, %dma_start3A_224] : memref<32x16xf32, #tpu.memory_space<hbm>> -> memref<1x16xf32, #tpu.memory_space<hbm>>
      %dma_start3A_226 = tpu.memref_squeeze %dma_start3A_225 : memref<1x16xf32, #tpu.memory_space<hbm>> -> memref<16xf32, #tpu.memory_space<hbm>>
      tpu.enqueue_dma source(%arg15 : memref<16xf32, #tpu.memory_space<vmem>>) target(%dma_start3A_226 : memref<16xf32, #tpu.memory_space<hbm>>) target_semaphore(%run_scoped3A : memref<!tpu.dma_semaphore, #tpu.memory_space<semaphore_mem>>)
      %dma_wait3A_227 = arith.constant 0 : i32
      %dma_wait3A_228 = tpu.memref_slice %arg5[%add3A, %dma_wait3A_227] : memref<32x16xf32, #tpu.memory_space<hbm>> -> memref<1x16xf32, #tpu.memory_space<hbm>>
      %dma_wait3A_229 = tpu.memref_squeeze %dma_wait3A_228 : memref<1x16xf32, #tpu.memory_space<hbm>> -> memref<16xf32, #tpu.memory_space<hbm>>
      %dma_wait3A_230 = arith.constant 0 : i32
      %dma_wait3A_231 = tpu.memref_slice %arg5[%add3A, %dma_wait3A_230] : memref<32x16xf32, #tpu.memory_space<hbm>> -> memref<1x16xf32, #tpu.memory_space<hbm>>
      %dma_wait3A_232 = tpu.memref_squeeze %dma_wait3A_231 : memref<1x16xf32, #tpu.memory_space<hbm>> -> memref<16xf32, #tpu.memory_space<hbm>>
      tpu.wait_dma2 semaphore(%run_scoped3A : memref<!tpu.dma_semaphore, #tpu.memory_space<semaphore_mem>>) src(%arg15 : memref<16xf32, #tpu.memory_space<vmem>>) dst(%dma_wait3A_232 : memref<16xf32, #tpu.memory_space<hbm>>)
      tpu.yield
    }) : () -> ()
    return
  }
}

module attributes {stable_mosaic.version = 14 : i64} {
  func.func @_lse_body(%arg0: i32, %arg1: memref<8192x128xf32, #tpu.memory_space<vmem>>, %arg2: memref<1x1xf32, #tpu.memory_space<smem>>) attributes {dimension_semantics = [#tpu.dimension_semantics<arbitrary>], iteration_bounds = array<i64: 2>, scalar_prefetch = 0 : i64, scratch_operands = 0 : i64, tpu.core_type = #tpu.core_type<tc>, window_params = [{transform_indices = @transform_0, window_bounds = array<i64: 8192, 128>}, {transform_indices = @transform_1, window_bounds = array<i64: 1, 1>}]} {
    %eq3A = arith.constant 0 : i32
    %eq3A_0 = arith.cmpi eq, %arg0, %eq3A : i32
    %convert_element_type3A = arith.extui %eq3A_0 : i1 to i32
    %cond3A = arith.constant 0 : i32
    %cond3A_1 = arith.cmpi ne, %convert_element_type3A, %cond3A : i32
    scf.if %cond3A_1 {
      %swap3A_18 = arith.constant 0.000000e+00 : f32
      %swap3A_19 = arith.constant 0 : index
      %swap3A_20 = arith.constant 0 : index
      %swap3A_21 = memref.load %arg2[%swap3A_19, %swap3A_20] : memref<1x1xf32, #tpu.memory_space<smem>>
      memref.store %swap3A_18, %arg2[%swap3A_19, %swap3A_20] : memref<1x1xf32, #tpu.memory_space<smem>>
    } else {
    }
    %get3A = arith.constant 0 : index
    %get3A_2 = arith.constant 0 : index
    %get3A_3 = vector.load %arg1[%get3A, %get3A_2] : memref<8192x128xf32, #tpu.memory_space<vmem>>, vector<8192x128xf32>
    %reduce_max3A = arith.constant dense<0xFF800000> : vector<8192xf32>
    %reduce_max3A_4 = vector.multi_reduction <maximumf>, %get3A_3, %reduce_max3A [1] : vector<8192x128xf32> to vector<8192xf32>
    %broadcast_in_dim3A = vector.shape_cast %reduce_max3A_4 : vector<8192xf32> to vector<8192x1xf32>
    %sub3A = vector.broadcast %broadcast_in_dim3A : vector<8192x1xf32> to vector<8192x128xf32>
    %sub3A_5 = arith.subf %get3A_3, %sub3A : vector<8192x128xf32>
    %exp3A = math.exp %sub3A_5 : vector<8192x128xf32>
    %reduce_sum3A = arith.constant dense<0.000000e+00> : vector<8192xf32>
    %reduce_sum3A_6 = vector.multi_reduction <add>, %exp3A, %reduce_sum3A [1] : vector<8192x128xf32> to vector<8192xf32>
    %get3A_7 = arith.constant 0 : index
    %get3A_8 = arith.constant 0 : index
    %get3A_9 = memref.load %arg2[%get3A_7, %get3A_8] : memref<1x1xf32, #tpu.memory_space<smem>>
    %squeeze3A = vector.shape_cast %broadcast_in_dim3A : vector<8192x1xf32> to vector<8192xf32>
    %log3A = math.log %reduce_sum3A_6 : vector<8192xf32>
    %add3A = arith.addf %squeeze3A, %log3A : vector<8192xf32>
    %reduce_sum3A_10 = vector.shape_cast %add3A : vector<8192xf32> to vector<1x8192xf32>
    %reduce_sum3A_11 = arith.constant dense<0.000000e+00> : vector<1xf32>
    %reduce_sum3A_12 = vector.multi_reduction <add>, %reduce_sum3A_10, %reduce_sum3A_11 [1] : vector<1x8192xf32> to vector<1xf32>
    %reduce_sum3A_13 = vector.shape_cast %reduce_sum3A_12 : vector<1xf32> to vector<1x1xf32>
    %reduce_sum3A_14 = vector.extract %reduce_sum3A_13[0, 0] : f32 from vector<1x1xf32>
    %add3A_15 = arith.addf %get3A_9, %reduce_sum3A_14 : f32
    %swap3A = arith.constant 0 : index
    %swap3A_16 = arith.constant 0 : index
    %swap3A_17 = memref.load %arg2[%swap3A, %swap3A_16] : memref<1x1xf32, #tpu.memory_space<smem>>
    memref.store %add3A_15, %arg2[%swap3A, %swap3A_16] : memref<1x1xf32, #tpu.memory_space<smem>>
    return
  }
  func.func @transform_0(%arg0: i32) -> (i32, i32) {
    %c0_i32 = arith.constant 0 : i32
    %c0_i32_0 = arith.constant 0 : i32
    return %arg0, %c0_i32 : i32, i32
  }
  func.func @transform_1(%arg0: i32) -> (i32, i32) {
    %c0_i32 = arith.constant 0 : i32
    %c0_i32_0 = arith.constant 0 : i32
    %c0_i32_1 = arith.constant 0 : i32
    return %c0_i32, %c0_i32_0 : i32, i32
  }
}

</mosaic_0001>

<sc_bundles>
// kernel: kernel.4.cloned.1.call-start
scs
__scs_entry_jumppad:
0x0: {  	(pc) =	sbr.rel $0x88, $3  }
0x1: {  	(tag) =	ssettag $0x0;
	lr =	simm.s32 $0x1  }
0x2: {  	[smem:$0x3F9E] =	sst lr;
	_ =	strace $0xD0000000  }
0x3: {  	_ = 	snop  }
0x4: {  	_ = 	snop  }
0x5: {  	_ = 	snop  }
0x6: {  	_ = 	snop  }
0x7: {  	_ = 	snop  }
__scs_overlays_trampoline_lowered:
0x8: {  	[smem:$0x3FAD] =	sst s0  }
0x9: {  	[smem:$0x3FAE] =	sst s1  }
0xa: {  	[smem:$0x3FAF] =	sst s2  }
0xb: {  	[smem:$0x3FB0] =	sst s3  }
0xc: {  	[smem:$0x3FB1] =	sst s4  }
0xd: {  	[smem:$0x3FB2] =	sst s5  }
0xe: {  	[smem:$0x3FB3] =	sst s6  }
0xf: {  	[smem:$0x3FB4] =	sst s7  }
0x10: {  	[smem:$0x3FB5] =	sst s8  }
0x11: {  	[smem:$0x3FB6] =	sst s9;
	s0 =	simm.s32 @!p0 $0x0  }
0x12: {  	s1 =	sld [smem:$0x3F9C];
	s0 =	simm.s32 @p0 $0x1  }
0x13: {  	[smem:$0x3FB7] =	sst s0;
	s0 =	simm.s32 @!p1 $0x0  }
0x14: {  	s2 =	sld [smem:$0x3F9B];
	s0 =	simm.s32 @p1 $0x1  }
0x15: {  	[smem:$0x3FB8] =	sst s0;
	s0 =	simm.s32 @!p2 $0x0  }
0x16: {  	s3 =	sld [smem:$0x3FDB];
	s0 =	simm.s32 @p2 $0x1  }
0x17: {  	s4 =	simm.s32 $0x1BF5;
	[smem:$0x3FBA] =	sst s0  }
0x18: {  	s0 =	sld [smem:$0x3F9D];
	_ =	swait.ge [sflag:s4], $0x0  }
0x19: {  	s7 =	sld [smem:$0x3F9E]  }
0x1a: {  	s8 =	sadd.s32 $0xFFFFE003, lr  }
0x1b: {  	s9 =	sadd.s32 $0xFFFFFEF7, lr;
	s5 =	simm.s32 $0xFFFFFFFF;
	p2 =	slt.u32 s8, $0xFFFFF086  }
0x1c: {  	p1 =	slt.u32 s9, $0xF7A;
	s5 =	simm.s32 @!p2 $0x0  }
0x1d: {  	s5 =	simm.s32 @p1 $0x1;
	p0 =	seq.s32 s7, s2  }
0x1e: {  	s7 =	smul.u32 @!p0 $0xF7A, s2;
	p2 =	seq.s32 @!p0 s5, $0x0  }
0x1f: {  	s9 =	smul.u32 $0xF7A, s1;
	s8 =	simm.s32 @!p0 $0x1BF5;
	p2 =	por !p2, p0  }
0x20: {  	[sflag:s8] =	ssyncset.s32 @!p0 $0xFFFFF086;
	s6 =	sadd.s32 @!p0 s3, s7;
	s7 =	simm.s32 @!p0 $0x108  }
0x21: {  	s3 =	sadd.s32 s3, s9;
	s6 =	sadd.s32 @!p0 $0x88, s6;
	s7 =	simm.s32 @p2 $0x1082  }
0x22: {  	[simem:s7], [sflag:s8] =	dma.local @!p0 [hbm:s6], $0xF7A  }
0x23: {  	s9 =	sor.u32 $0xD0000000, s2;
	s6 =	simm.s32 $0x108;
	_ =	swait.ge @!p0 [sflag:s8], $0x0  }
0x24: {  	s3 =	sadd.s32 $0x88, s3;
	s6 =	simm.s32 @!p1 $0x1082;
	[sflag:s4] =	ssyncset.s32 $0xFFFFF086  }
0x25: {  	[simem:s6], [sflag:s4] =	dma.local [hbm:s3], $0xF7A  }
0x26: {  	[smem:$0x3F9E] =	sst s1;
	(tag) =	ssettag s2;
	_ =	strace s9  }
0x27: {  	s1 =	sld [smem:$0x3FAE]  }
0x28: {  	s2 =	sld [smem:$0x3FAF]  }
0x29: {  	s4 =	sld [smem:$0x3FB1]  }
0x2a: {  	p0 =	seq.s32 s5, $0x0;
	s5 =	sld [smem:$0x3FB2]  }
0x2b: {  	s6 =	sld [smem:$0x3FB3]  }
0x2c: {  	s7 =	sld [smem:$0x3FB4]  }
0x2d: {  	s3 =	simm.s32 $0x108;
	s8 =	sld [smem:$0x3FB5]  }
0x2e: {  	s3 =	simm.s32 @!p0 $0x1082;
	s9 =	sld [smem:$0x3FB6]  }
0x2f: {  	lr =	sadd.s32 s0, s3;
	s0 =	sld [smem:$0x3FAD]  }
0x30: {  	s3 =	sld [smem:$0x3FB0]  }
0x31: {  	[smem:$0x3FB9] =	sst s10  }
0x32: {  	s10 =	sld [smem:$0x3FB7];
	_ =	sdelay $0x3  }
0x33: {  	p0 =	seq.s32 s10, $0x1;
	s10 =	sld [smem:$0x3FB9];
	_ =	sdelay $0x3  }
0x34: {  	[smem:$0x3FB9] =	sst s10  }
0x35: {  	s10 =	sld [smem:$0x3FB8];
	_ =	sdelay $0x3  }
0x36: {  	p1 =	seq.s32 s10, $0x1;
	s10 =	sld [smem:$0x3FB9];
	_ =	sdelay $0x3  }
0x37: {  	[smem:$0x3FB9] =	sst s10  }
0x38: {  	s10 =	sld [smem:$0x3FBA]  }
0x39: {  	_ = 	snop;
	(pc) =	sbr.ind lr, $3  }
0x3a: {  	_ = 	snop  }
0x3b: {  	_ = 	snop  }
0x3c: {  	p2 =	seq.s32 s10, $0x1;
	s10 =	sld [smem:$0x3FB9]  }
0x3d: {  	_ =	shalt  }
0x3e: {  	_ =	shalt  }
0x3f: {  	_ =	shalt  }
0x40: {  	_ =	shalt  }
0x41: {  	_ =	shalt  }
0x42: {  	_ =	shalt  }
0x43: {  	_ =	shalt  }
0x44: {  	_ =	shalt  }
0x45: {  	_ =	shalt  }
0x46: {  	_ =	shalt  }
0x47: {  	_ =	shalt  }
0x48: {  	_ =	shalt  }
0x49: {  	_ =	shalt  }
0x4a: {  	_ =	shalt  }
0x4b: {  	_ =	shalt  }
0x4c: {  	_ =	shalt  }
0x4d: {  	_ =	shalt  }
0x4e: {  	_ =	shalt  }
0x4f: {  	_ =	shalt  }
0x50: {  	_ =	shalt  }
0x51: {  	_ =	shalt  }
0x52: {  	_ =	shalt  }
0x53: {  	_ =	shalt  }
0x54: {  	_ =	shalt  }
0x55: {  	_ =	shalt  }
0x56: {  	_ =	shalt  }
0x57: {  	_ =	shalt  }
0x58: {  	_ =	shalt  }
0x59: {  	_ =	shalt  }
0x5a: {  	_ =	shalt  }
0x5b: {  	_ =	shalt  }
0x5c: {  	_ =	shalt  }
0x5d: {  	_ =	shalt  }
0x5e: {  	_ =	shalt  }
0x5f: {  	_ =	shalt  }
0x60: {  	_ =	shalt  }
0x61: {  	_ =	shalt  }
0x62: {  	_ =	shalt  }
0x63: {  	_ =	shalt  }
0x64: {  	_ =	shalt  }
0x65: {  	_ =	shalt  }
0x66: {  	_ =	shalt  }
0x67: {  	_ =	shalt  }
0x68: {  	_ =	shalt  }
0x69: {  	_ =	shalt  }
0x6a: {  	_ =	shalt  }
0x6b: {  	_ =	shalt  }
0x6c: {  	_ =	shalt  }
0x6d: {  	_ =	shalt  }
0x6e: {  	_ =	shalt  }
0x6f: {  	_ =	shalt  }
0x70: {  	_ =	shalt  }
0x71: {  	_ =	shalt  }
0x72: {  	_ =	shalt  }
0x73: {  	_ =	shalt  }
0x74: {  	_ =	shalt  }
0x75: {  	_ =	shalt  }
0x76: {  	_ =	shalt  }
0x77: {  	_ =	shalt  }
0x78: {  	_ =	shalt  }
0x79: {  	_ =	shalt  }
0x7a: {  	_ =	shalt  }
0x7b: {  	_ =	shalt  }
0x7c: {  	_ =	shalt  }
0x7d: {  	_ =	shalt  }
0x7e: {  	_ =	shalt  }
0x7f: {  	_ =	shalt  }
0x80: {  	_ =	shalt  }
0x81: {  	_ =	shalt  }
0x82: {  	_ =	shalt  }
0x83: {  	_ =	shalt  }
0x84: {  	_ =	shalt  }
0x85: {  	_ =	shalt  }
0x86: {  	_ =	shalt  }
0x87: {  	_ =	shalt  }
.Lfunc_end0:
.L_simem_size_0:
called_computation_lowered:
.L_overlay_start_0:
0x88: {  	s2 =	sld [smem:$0x3FD9]  }
0x89: {  	s3 =	sld [smem:$0x3FFE];
	_ =	sdelay $0x1  }
0x8a: {  	s1 =	srdreg.scid  }
0x8b: {  	s0 =	sand.u32 $0x1, s1  }
0x8c: {  	s17 =	sshll.u32 s0, $0xA;
	s2 =	sadd.s32 s3, s2  }
0x8d: {  	s2 =	sadd.s32 s2, s17  }
0x8e: {  	[smem:$0x3FC5] =	sst s2  }
0x8f: {  	_ = 	snop  }
0x90: {  	s2 =	sld [smem:$0x3FC9]  }
0x91: {  	s18 =	sld [smem:$0x3FC8]  }
0x92: {  	s4 =	sld [smem:$0x3FC7];
	(tm) =	ssettm $0x1  }
0x93: {  	s5 =	sld [smem:$0x3FFB];
	_ =	sdelay $0x3  }
0x94: {  	_ =	strace s5  }
0x95: {  	s5 =	sld [smem:$0x3FFC];
	_ =	sdelay $0x3  }
0x96: {  	_ =	strace s5  }
0x97: {  	s5 =	sld [smem:$0x3FFD];
	_ =	sdelay $0x3  }
0x98: {  	_ =	strace s5  }
0x99: {  	_ =	strace $0x8FFFFFFF  }
0x9a: {  	s19 =	sld [smem:$0x3FDB];
	_ =	sdelay $0x1  }
0x9b: {  	s6 =	simm.s32 $_scs_section_size  }
0x9c: {  	s7 =	simm.s32 $_size__tile_overlayer_lowered;
	s8 =	simm.s32 $_tile_overlayer_lowered  }
0x9d: {  	s22 =	simm.s32 $0x1BFF;
	s21 =	sshll.u32 s8, $0x1;
	s5 =	sadd.s32 s6, s19  }
0x9e: {  	s9 =	simm.s32 $0x0;
	s20 =	sshll.u32 s7, $0x1;
	s7 =	sadd.s32 s21, s5  }
0x9f: {  	[timem:s9], [sflag:s22] =	dma.local [hbm:s7], s20  }
0xa0: {  	_ =	swait.ge [sflag:s22], s20  }
0xa1: {  	s6 =	ssub.s32 $0x0, s20;
	[sflag:s22] =	ssyncset.done $0x0  }
0xa2: {  	[sflag:s22] =	ssyncadd.s32 s6;
	_ =	sdelay $0x1  }
0xa3: {  	s23 =	simm.s32 $0x1B8B  }
0xa4: {  	_ =	swait.ge [sflag:s23], $0x1  }
0xa5: {  	[sflag:s23] =	ssyncset.done $0x0  }
0xa6: {  	s25 =	simm.s32 $0x1B8E;
	s24 =	sld [smem:$0x3FFE];
	[sflag:s23] =	ssyncadd.s32 $0xFFFFFFFF  }
0xa7: {  	s26 =	simm.s32 $execute0_lowered;
	[smem:$0x3FD2] =	sst s25  }
0xa8: {  	s7 =	sshll.u32 s26, $0x1;
	_ =	strace $0x80000046;
	[dreg:$0x1] =	wrdreg $0xFFFFFFFF  }
0xa9: {  	s28 =	simm.s32 $_size_execute0_lowered;
	s5 =	sadd.s32 s5, s7;
	[dreg:$0x0] =	wrdreg $0x0  }
0xaa: {  	s7 =	sshll.u32 s28, $0x1;
	[dreg:$0x2] =	wrdreg s5  }
0xab: {  	[dreg:$0x3] =	wrdreg s7  }
0xac: {  	[dreg:$0x4] =	wrdreg $0xC0  }
0xad: {  	_ =	task [dreg:s9], $0x5FFFF  }
0xae: {  	[dreg:$0x1] =	wrdreg $0xFFFFFFFF  }
0xaf: {  	[dreg:$0x0] =	wrdreg $0x60  }
0xb0: {  	[dreg:$0x2] =	wrdreg s2  }
0xb1: {  	[dreg:$0x3] =	wrdreg s18  }
0xb2: {  	[dreg:$0x4] =	wrdreg s4  }
0xb3: {  	[dreg:$0x5] =	wrdreg s24  }
0xb4: {  	[dreg:$0x6] =	wrdreg $0x9  }
0xb5: {  	_ =	task.clear_ibuf [dreg:s9], $0x7FFFF;
	_ =	strace $0x90000046  }
0xb6: {  	s29 =	simm.s32 $0x9;
	_ =	strace $0x80000048  }
0xb7: {  	_ =	swait.ge [sflag:s29], $0x1  }
0xb8: {  	[sflag:s29] =	ssyncadd.s32 $0xFFFFFFFF  }
0xb9: {  	_ =	strace $0x90000048  }
0xba: {  	_ =	sfence  }
0xbb: {  	s30 =	sld [smem:$0x0];
	_ =	sdelay $0x2  }
0xbc: {  	s31 =	sshll.u32 s1, $0xD;
	s1 =	sshrl.u32 s1, $0x2  }
0xbd: {  	s3 =	sand.u32 $0x4000, s31;
	s1 =	sadd.s32 s1, s30  }
0xbe: {  	s0 =	sor.u32 s3, s0;
	s1 =	sshll.u32 s1, $0x11  }
0xbf: {  	s0 =	sor.u32 s1, s0  }
0xc0: {  	s0 =	sadd.s32 $0x8F2B, s0  }
0xc1: {  	[sflag:s0] =	ssyncadd.remote.s32 $0x1  }
0xc2: {  	_ =	sfence.sel $0xFFFF  }
0xc3: {  	[dreg:$0x0] =	wrdreg $0xFFFFFFFF;
	(pc) =	sbr.abs _section_cstart, $3  }
0xc4: {  	[dreg:$0x1] =	wrdreg $0xFFFFFFFF  }
0xc5: {  	_ =	task.clear_ibuf [dreg:s9], $0x2FFFF;
	_ =	strace $0x9FFFFFFF  }
0xc6: {  	(tm) =	ssettm $0x7FFFFFFF  }
0xc7: {  	_ =	shalt  }
tec
execute0_lowered:
.L_overlay_start_1:
0x0: {  	(tag) =	ssettag $0x1  }
0x1: {  	s0 =	rddreg [dreg:$0x0]  }
0x2: {  	s1 =	rddreg [dreg:$0x1]  }
0x3: {  	s2 =	rddreg [dreg:$0x2];
	s3 =	srdreg.scid  }
0x4: {  	s6 =	stileid.u32;
	s4 =	rddreg [dreg:$0x3];
	s18 =	simm.s32 $0x1  }
0x5: {  	s19 =	simm.s32 $0x40;
	s21 =	simm.s32 $0x2200;
	s23 =	simm.s32 $0x4200  }
0x6: {  	s24 =	simm.s32 $0x2;
	s28 =	simm.s32 $0x6200;
	s29 =	simm.s32 $0xE200  }
0x7: {  	s30 =	simm.s32 $0x3;
	s31 =	simm.s32 $0x7;
	s22 =	simm.s32 $0x8  }
0x8: {  	s15 =	simm.s32 $0xA;
	s5 =	sand.u32 $0x1, s3;
	s6 =	sshll.u32 s6, $0x1  }
0x9: {  	s16 =	simm.s32 $0x0;
	s3 =	simm.s32 $0x0;
	s6 =	sor.u32 s5, s6  }
0xa: {  	[smem:$0x7FF] =	sst s3;
	s25 =	ssub.s32 $0x2, s5;
	s7 =	sshll.u32 s6, $0x4  }
0xb: {  	_ =	strace $0x80000047;
	s5 =	sshrl.u32 s25, $0x1;
	s26 =	sshll.u32 s6, $0x6  }
0xc: {  	s6 =	sshll.u32 s6, $0xD;
	s13 =	sadd.s32 s7, s4;
	s14 =	ssub.s32 s25, s5  }
0xd: {  	s4 =	sadd.s32 s1, s26;
	s5 =	sadd.s32 s0, s6;
	s25 =	simm.s32 $0x6  }
0xe: {  	s0 =	simm.s32 $0x4;
	s1 =	simm.s32 $0x5;
	s26 =	simm.s32 $0x9  }
0xf: {  	s6 =	sadd.s32 $0x400, s5;
	s7 =	sadd.s32 $0x800, s5;
	s8 =	sadd.s32 $0xC00, s5  }
0x10: {  	s9 =	sadd.s32 $0x1000, s5;
	s10 =	sadd.s32 $0x1400, s5;
	s11 =	sadd.s32 $0x1800, s5  }
0x11: {  	s12 =	sadd.s32 $0x1C00, s5;
	s13 =	sadd.s32 $0x200, s13;
	s14 =	smax.u32 s14, $0x1  }
.LBB2_1:
0x12: {  	[tilespmem:s3], [sflag:$0x1] =	stream.linear.gather [hbm4b:s4+s3], $0x200, $0x38;
	[tilespmem:$0x10280] =	vst v63  }
0x13: {  	s17 =	simm.s32 $0x8200  }
0x14: {  	[tilespmem:s17], [sflag:$0x6] =	stream.linear.gather [hbm4b:s5+s3], $0x2000, $0x38;
	[tilespmem:$0x10280] =	vst v63  }
0x15: {  	s20 =	simm.s32 $0xA200  }
0x16: {  	[tilespmem:s20], [sflag:$0x7] =	stream.linear.gather [hbm4b:s6+s3], $0x2000, $0x38;
	[tilespmem:$0x10280] =	vst v63  }
0x17: {  	s20 =	simm.s32 $0xC200  }
0x18: {  	[tilespmem:s20], [sflag:$0x8] =	stream.linear.gather [hbm4b:s7+s3], $0x2000, $0x38;
	[tilespmem:$0x10280] =	vst v63  }
0x19: {  	_ =	swait.ge [sflag:s18], $0x200  }
0x1a: {  	[sflag:s18] =	ssyncset.done $0x0  }
0x1b: {  	s20 =	simm.s32 $0x200;
	[sflag:s18] =	ssyncadd.s32 $0xFFFFFE00  }
0x1c: {  	[tilespmem:s20], [sflag:$0x2] =	stream.indirect.gather [hbm4b:s2+s19], $0x80, s3, s19, $0xb8;
	[tilespmem:$0x10280] =	vst v63  }
0x1d: {  	_ = 	snop  }
0x1e: {  	[tilespmem:s21], [sflag:$0x3] =	stream.indirect.gather [hbm4b:s2+s19], $0x80, s19, s19, $0xb8;
	[tilespmem:$0x10280] =	vst v63  }
0x1f: {  	s20 =	simm.s32 $0x80  }
0x20: {  	[tilespmem:s23], [sflag:$0x4] =	stream.indirect.gather [hbm4b:s2+s19], $0x80, s20, s19, $0xb8;
	[tilespmem:$0x10280] =	vst v63  }
0x21: {  	_ =	swait.ge [sflag:s24], $0x2000  }
0x22: {  	[sflag:s24] =	ssyncset.done $0x0  }
0x23: {  	[sflag:s24] =	ssyncadd.s32 $0xFFFFE000  }
0x24: {  	_ =	swait.ge [sflag:s25], $0x2000  }
0x25: {  	[sflag:s25] =	ssyncset.done $0x0  }
0x26: {  	s20 =	simm.s32 $0xC0;
	[sflag:s25] =	ssyncadd.s32 $0xFFFFE000  }
0x27: {  	[tilespmem:s28], [sflag:$0x5] =	stream.indirect.gather [hbm4b:s2+s19], $0x80, s20, s19, $0xb8;
	[tilespmem:$0x10280] =	vst v63  }
0x28: {  	s20 =	simm.s32 $0x0  }
0x29: {  	[tilespmem:s29], [sflag:$0x9] =	stream.linear.gather [hbm4b:s8+s3], $0x2000, $0x38;
	[tilespmem:$0x10280] =	vst v63  }
0x2a: {  	v0 =	vld [tilespmem:s20+$0x270]  }
0x2b: {  	v1 =	vld [tilespmem:s20+$0x8270]  }
0x2c: {  	v2 =	vld [tilespmem:s20+$0x200]  }
0x2d: {  	v3 =	vld [tilespmem:s20+$0x8200]  }
0x2e: {  	v5 =	vld [tilespmem:s20+$0x210]  }
0x2f: {  	v6 =	vld [tilespmem:s20+$0x8210]  }
0x30: {  	v7 =	vld [tilespmem:s20+$0x220]  }
0x31: {  	v9 =	vld [tilespmem:s20+$0x8220]  }
0x32: {  	v10 =	vld [tilespmem:s20+$0x230]  }
0x33: {  	v11 =	vld [tilespmem:s20+$0x8230]  }
0x34: {  	v13 =	vld [tilespmem:s20+$0x240]  }
0x35: {  	v14 =	vld [tilespmem:s20+$0x8240]  }
0x36: {  	v0 =	vmul.f32 v1, v0  }
0x37: {  	v4 =	vimm.f32 $0.0e+00;
	v8 =	vld [tilespmem:s20+$0x250];
	v1 =	vmul.f32 v3, v2;
	v2 =	vmul.f32 v6, v5  }
0x38: {  	v6 =	vmul.f32 v11, v10;
	v3 =	vadd.f32 v0, v4;
	v0 =	vmul.f32 v9, v7;
	v9 =	vld [tilespmem:s20+$0x8250]  }
0x39: {  	v12 =	vld [tilespmem:s20+$0x8260];
	v5 =	vadd.f32 v1, v4  }
0x3a: {  	s17 =	simm.s32 $0x80;
	v10 =	vld [tilespmem:s20+$0x260];
	v13 =	vmul.f32 v14, v13;
	v1 =	vadd.f32 v2, v4;
	v2 =	vadd.f32 v6, v4  }
0x3b: {  	v11 =	vld [tilespmem:s17+$0x270];
	s20 =	simm.s32 $0x400;
	v7 =	vimm.f32 $0.0e+00;
	v6 =	vimm.f32 $0.0e+00;
	v0 =	vadd.f32 v0, v4  }
.LBB2_2:
0x3c: {  	p0 =	sne.s32 s20, $0x7E00;
	v14 =	vld [tilespmem:s17+$0x8270]  }
0x3d: {  	v15 =	vld [tilespmem:s17+$0x200];
	v4 =	vadd.f32 v13, v4;
	v8 =	vmul.f32 v9, v8  }
0x3e: {  	v9 =	vld [tilespmem:s17+$0x8200]  }
0x3f: {  	v13 =	vld [tilespmem:s17+$0x210];
	v7 =	vadd.f32 v8, v7;
	v8 =	vmul.f32 v12, v10  }
0x40: {  	v10 =	vld [tilespmem:s17+$0x8210]  }
0x41: {  	v12 =	vld [tilespmem:s17+$0x220];
	v11 =	vmul.f32 v14, v11;
	v6 =	vadd.f32 v8, v6  }
0x42: {  	v8 =	vld [tilespmem:s17+$0x8220]  }
0x43: {  	v9 =	vmul.f32 v9, v15;
	v14 =	vld [tilespmem:s17+$0x230];
	v3 =	vadd.f32 v11, v3  }
0x44: {  	v11 =	vld [tilespmem:s17+$0x8230]  }
0x45: {  	v5 =	vadd.f32 v9, v5;
	v9 =	vmul.f32 v10, v13;
	v13 =	vld [tilespmem:s17+$0x240]  }
0x46: {  	v15 =	vld [tilespmem:s17+$0x8240]  }
.Ltmp0:
0x47: {  	v1 =	vadd.f32 v9, v1;
	v10 =	vmul.f32 v8, v12;
	v8 =	vld [tilespmem:s17+$0x250];
	(pc) =	sbr.rel @p0 .LBB2_2-.Ltmp0, $4  }
0x48: {  	v9 =	vld [tilespmem:s17+$0x8250]  }
0x49: {  	v0 =	vadd.f32 v10, v0;
	v14 =	vmul.f32 v11, v14;
	v10 =	vld [tilespmem:s17+$0x260]  }
0x4a: {  	v12 =	vld [tilespmem:s17+$0x8260];
	s17 =	sshra.s32 s20, $0x2  }
0x4b: {  	s20 =	sadd.s32 $0x200, s20;
	v11 =	vld [tilespmem:s17+$0x270];
	v2 =	vadd.f32 v14, v2;
	v13 =	vmul.f32 v15, v13  }
0x4c: {  	v14 =	vld [tilespmem:s17+$0x8270]  }
0x4d: {  	v15 =	vld [tilespmem:s17+$0x200]  }
0x4e: {  	v16 =	vld [tilespmem:s17+$0x8200]  }
0x4f: {  	v17 =	vld [tilespmem:s17+$0x210]  }
0x50: {  	v18 =	vld [tilespmem:s17+$0x8210]  }
0x51: {  	v19 =	vld [tilespmem:s17+$0x220]  }
0x52: {  	v20 =	vld [tilespmem:s17+$0x8220]  }
0x53: {  	v21 =	vld [tilespmem:s17+$0x230]  }
0x54: {  	v22 =	vld [tilespmem:s17+$0x8230]  }
0x55: {  	v23 =	vld [tilespmem:s17+$0x240]  }
0x56: {  	v24 =	vld [tilespmem:s17+$0x8240]  }
0x57: {  	v25 =	vld [tilespmem:s17+$0x250]  }
0x58: {  	v26 =	vld [tilespmem:s17+$0x8250]  }
0x59: {  	v27 =	vld [tilespmem:s17+$0x260]  }
0x5a: {  	v28 =	vld [tilespmem:s17+$0x8260];
	_ =	swait.ge [sflag:s30], $0x2000  }
0x5b: {  	[sflag:s30] =	ssyncset.done $0x0  }
0x5c: {  	[sflag:s30] =	ssyncadd.s32 $0xFFFFE000  }
0x5d: {  	_ =	swait.ge [sflag:s31], $0x2000  }
0x5e: {  	[sflag:s31] =	ssyncset.done $0x0  }
0x5f: {  	s17 =	simm.s32 $0x200;
	s20 =	simm.s32 $0x100;
	[sflag:s31] =	ssyncadd.s32 $0xFFFFE000  }
0x60: {  	[tilespmem:s17], [sflag:$0x2] =	stream.indirect.gather [hbm4b:s2+s19], $0x80, s20, s19, $0xb8;
	[tilespmem:$0x10280] =	vst v63  }
0x61: {  	s17 =	simm.s32 $0x0;
	s20 =	simm.s32 $0x8200  }
0x62: {  	[tilespmem:s20], [sflag:$0x6] =	stream.linear.gather [hbm4b:s9+s17], $0x2000, $0x38;
	[tilespmem:$0x10280] =	vst v63  }
0x63: {  	s20 =	simm.s32 $0x0  }
0x64: {  	v29 =	vld [tilespmem:s20+$0x2270]  }
0x65: {  	v30 =	vld [tilespmem:s20+$0xA270]  }
0x66: {  	v31 =	vld [tilespmem:s20+$0x2200]  }
0x67: {  	v32 =	vld [tilespmem:s20+$0xA200]  }
0x68: {  	v33 =	vld [tilespmem:s20+$0x2210]  }
0x69: {  	v8 =	vmul.f32 v9, v8;
	v9 =	vld [tilespmem:s20+$0xA210]  }
0x6a: {  	v10 =	vmul.f32 v12, v10;
	v11 =	vmul.f32 v14, v11;
	v12 =	vld [tilespmem:s20+$0x2220]  }
0x6b: {  	v4 =	vadd.f32 v13, v4;
	v7 =	vadd.f32 v8, v7;
	v8 =	vmul.f32 v16, v15;
	v13 =	vld [tilespmem:s20+$0xA220]  }
0x6c: {  	v6 =	vadd.f32 v10, v6;
	v10 =	vmul.f32 v18, v17;
	v3 =	vadd.f32 v11, v3;
	v11 =	vld [tilespmem:s20+$0x2230]  }
0x6d: {  	v14 =	vmul.f32 v22, v21;
	v5 =	vadd.f32 v8, v5;
	v8 =	vmul.f32 v20, v19;
	v15 =	vld [tilespmem:s20+$0xA230]  }
0x6e: {  	v59 =	vadd.f32 v10, v1;
	v1 =	vmul.f32 v24, v23;
	v10 =	vmul.f32 v26, v25;
	v60 =	vld [tilespmem:s20+$0x2240]  }
0x6f: {  	v14 =	vadd.f32 v14, v2;
	v2 =	vmul.f32 v28, v27;
	v61 =	vadd.f32 v8, v0;
	v62 =	vld [tilespmem:s20+$0xA240]  }
0x70: {  	v0 =	vadd.f32 v1, v4;
	v1 =	vadd.f32 v10, v7;
	v8 =	vld [tilespmem:s20+$0x2250];
	v4 =	vmul.f32 v30, v29  }
0x71: {  	v2 =	vadd.f32 v2, v6;
	v7 =	vmul.f32 v32, v31;
	v63 =	vmul.f32 v9, v33;
	v9 =	vld [tilespmem:s20+$0xA250]  }
0x72: {  	v10 =	vld [tilespmem:s20+$0x2260];
	v6 =	vadd.f32 v4, v3;
	v3 =	vmul.f32 v13, v12;
	v13 =	vmul.f32 v15, v11  }
0x73: {  	s17 =	simm.s32 $0x80;
	v7 =	vadd.f32 v7, v5;
	v4 =	vadd.f32 v63, v59;
	v12 =	vld [tilespmem:s20+$0xA260]  }
0x74: {  	v11 =	vld [tilespmem:s17+$0x2270];
	s20 =	simm.s32 $0x400;
	v3 =	vadd.f32 v3, v61;
	v5 =	vadd.f32 v13, v14;
	v13 =	vmul.f32 v62, v60  }
.LBB2_4:
0x75: {  	p0 =	sne.s32 s20, $0x7E00;
	v14 =	vld [tilespmem:s17+$0xA270]  }
0x76: {  	v15 =	vld [tilespmem:s17+$0x2200];
	v0 =	vadd.f32 v13, v0;
	v8 =	vmul.f32 v9, v8  }
0x77: {  	v9 =	vld [tilespmem:s17+$0xA200]  }
0x78: {  	v13 =	vld [tilespmem:s17+$0x2210];
	v1 =	vadd.f32 v8, v1;
	v8 =	vmul.f32 v12, v10  }
0x79: {  	v10 =	vld [tilespmem:s17+$0xA210]  }
0x7a: {  	v12 =	vld [tilespmem:s17+$0x2220];
	v11 =	vmul.f32 v14, v11;
	v2 =	vadd.f32 v8, v2  }
0x7b: {  	v8 =	vld [tilespmem:s17+$0xA220]  }
0x7c: {  	v9 =	vmul.f32 v9, v15;
	v14 =	vld [tilespmem:s17+$0x2230];
	v6 =	vadd.f32 v11, v6  }
0x7d: {  	v11 =	vld [tilespmem:s17+$0xA230]  }
0x7e: {  	v7 =	vadd.f32 v9, v7;
	v9 =	vmul.f32 v10, v13;
	v13 =	vld [tilespmem:s17+$0x2240]  }
0x7f: {  	v15 =	vld [tilespmem:s17+$0xA240]  }
.Ltmp1:
0x80: {  	v4 =	vadd.f32 v9, v4;
	v10 =	vmul.f32 v8, v12;
	v8 =	vld [tilespmem:s17+$0x2250];
	(pc) =	sbr.rel @p0 .LBB2_4-.Ltmp1, $4  }
0x81: {  	v9 =	vld [tilespmem:s17+$0xA250]  }
0x82: {  	v3 =	vadd.f32 v10, v3;
	v14 =	vmul.f32 v11, v14;
	v10 =	vld [tilespmem:s17+$0x2260]  }
0x83: {  	v12 =	vld [tilespmem:s17+$0xA260];
	s17 =	sshra.s32 s20, $0x2  }
0x84: {  	s20 =	sadd.s32 $0x200, s20;
	v11 =	vld [tilespmem:s17+$0x2270];
	v5 =	vadd.f32 v14, v5;
	v13 =	vmul.f32 v15, v13  }
0x85: {  	v14 =	vld [tilespmem:s17+$0xA270]  }
0x86: {  	v15 =	vld [tilespmem:s17+$0x2200]  }
0x87: {  	v16 =	vld [tilespmem:s17+$0xA200]  }
0x88: {  	v17 =	vld [tilespmem:s17+$0x2210]  }
0x89: {  	v18 =	vld [tilespmem:s17+$0xA210]  }
0x8a: {  	v19 =	vld [tilespmem:s17+$0x2220]  }
0x8b: {  	v20 =	vld [tilespmem:s17+$0xA220]  }
0x8c: {  	v21 =	vld [tilespmem:s17+$0x2230]  }
0x8d: {  	v22 =	vld [tilespmem:s17+$0xA230]  }
0x8e: {  	v23 =	vld [tilespmem:s17+$0x2240]  }
0x8f: {  	v24 =	vld [tilespmem:s17+$0xA240]  }
0x90: {  	v25 =	vld [tilespmem:s17+$0x2250]  }
0x91: {  	v26 =	vld [tilespmem:s17+$0xA250]  }
0x92: {  	v27 =	vld [tilespmem:s17+$0x2260]  }
0x93: {  	v28 =	vld [tilespmem:s17+$0xA260];
	_ =	swait.ge [sflag:s0], $0x2000  }
0x94: {  	[sflag:s0] =	ssyncset.done $0x0  }
0x95: {  	[sflag:s0] =	ssyncadd.s32 $0xFFFFE000  }
0x96: {  	_ =	swait.ge [sflag:s22], $0x2000  }
0x97: {  	[sflag:s22] =	ssyncset.done $0x0  }
0x98: {  	s20 =	simm.s32 $0x140;
	[sflag:s22] =	ssyncadd.s32 $0xFFFFE000  }
0x99: {  	[tilespmem:s21], [sflag:$0x3] =	stream.indirect.gather [hbm4b:s2+s19], $0x80, s20, s19, $0xb8;
	[tilespmem:$0x10280] =	vst v63  }
0x9a: {  	s17 =	simm.s32 $0x0;
	s20 =	simm.s32 $0xA200  }
0x9b: {  	[tilespmem:s20], [sflag:$0x7] =	stream.linear.gather [hbm4b:s10+s17], $0x2000, $0x38;
	[tilespmem:$0x10280] =	vst v63  }
0x9c: {  	s20 =	simm.s32 $0x0  }
0x9d: {  	v29 =	vld [tilespmem:s20+$0x4270]  }
0x9e: {  	v30 =	vld [tilespmem:s20+$0xC270]  }
0x9f: {  	v31 =	vld [tilespmem:s20+$0x4200]  }
0xa0: {  	v32 =	vld [tilespmem:s20+$0xC200]  }
0xa1: {  	v33 =	vld [tilespmem:s20+$0x4210]  }
0xa2: {  	v8 =	vmul.f32 v9, v8;
	v9 =	vld [tilespmem:s20+$0xC210]  }
0xa3: {  	v10 =	vmul.f32 v12, v10;
	v11 =	vmul.f32 v14, v11;
	v12 =	vld [tilespmem:s20+$0x4220]  }
0xa4: {  	v0 =	vadd.f32 v13, v0;
	v1 =	vadd.f32 v8, v1;
	v8 =	vmul.f32 v16, v15;
	v13 =	vld [tilespmem:s20+$0xC220]  }
0xa5: {  	v2 =	vadd.f32 v10, v2;
	v10 =	vmul.f32 v18, v17;
	v6 =	vadd.f32 v11, v6;
	v11 =	vld [tilespmem:s20+$0x4230]  }
0xa6: {  	v14 =	vmul.f32 v22, v21;
	v60 =	vmul.f32 v26, v25;
	v7 =	vadd.f32 v8, v7;
	v15 =	vld [tilespmem:s20+$0xC230]  }
0xa7: {  	v8 =	vmul.f32 v20, v19;
	v4 =	vadd.f32 v10, v4;
	v10 =	vmul.f32 v24, v23;
	v61 =	vld [tilespmem:s20+$0x4240]  }
0xa8: {  	v5 =	vadd.f32 v14, v5;
	v14 =	vmul.f32 v28, v27;
	v1 =	vadd.f32 v60, v1;
	v62 =	vld [tilespmem:s20+$0xC240]  }
0xa9: {  	v3 =	vadd.f32 v8, v3;
	v0 =	vadd.f32 v10, v0;
	v8 =	vld [tilespmem:s20+$0x4250];
	v10 =	vmul.f32 v30, v29  }
0xaa: {  	v2 =	vadd.f32 v14, v2;
	v14 =	vmul.f32 v32, v31;
	v63 =	vmul.f32 v9, v33;
	v9 =	vld [tilespmem:s20+$0xC250]  }
0xab: {  	v13 =	vmul.f32 v13, v12;
	v15 =	vmul.f32 v15, v11;
	v12 =	vld [tilespmem:s20+$0xC260];
	v6 =	vadd.f32 v10, v6  }
0xac: {  	s17 =	simm.s32 $0x80;
	v10 =	vld [tilespmem:s20+$0x4260];
	v7 =	vadd.f32 v14, v7;
	v4 =	vadd.f32 v63, v4  }
0xad: {  	v11 =	vld [tilespmem:s17+$0x4270];
	v3 =	vadd.f32 v13, v3;
	s20 =	simm.s32 $0x400;
	v5 =	vadd.f32 v15, v5;
	v13 =	vmul.f32 v62, v61  }
.LBB2_6:
0xae: {  	p0 =	sne.s32 s20, $0x7E00;
	v14 =	vld [tilespmem:s17+$0xC270]  }
0xaf: {  	v15 =	vld [tilespmem:s17+$0x4200];
	v0 =	vadd.f32 v13, v0;
	v8 =	vmul.f32 v9, v8  }
0xb0: {  	v9 =	vld [tilespmem:s17+$0xC200]  }
0xb1: {  	v13 =	vld [tilespmem:s17+$0x4210];
	v1 =	vadd.f32 v8, v1;
	v8 =	vmul.f32 v12, v10  }
0xb2: {  	v10 =	vld [tilespmem:s17+$0xC210]  }
0xb3: {  	v12 =	vld [tilespmem:s17+$0x4220];
	v11 =	vmul.f32 v14, v11;
	v2 =	vadd.f32 v8, v2  }
0xb4: {  	v8 =	vld [tilespmem:s17+$0xC220]  }
0xb5: {  	v9 =	vmul.f32 v9, v15;
	v14 =	vld [tilespmem:s17+$0x4230];
	v6 =	vadd.f32 v11, v6  }
0xb6: {  	v11 =	vld [tilespmem:s17+$0xC230]  }
0xb7: {  	v7 =	vadd.f32 v9, v7;
	v9 =	vmul.f32 v10, v13;
	v13 =	vld [tilespmem:s17+$0x4240]  }
0xb8: {  	v15 =	vld [tilespmem:s17+$0xC240]  }
.Ltmp2:
0xb9: {  	v4 =	vadd.f32 v9, v4;
	v10 =	vmul.f32 v8, v12;
	v8 =	vld [tilespmem:s17+$0x4250];
	(pc) =	sbr.rel @p0 .LBB2_6-.Ltmp2, $4  }
0xba: {  	v9 =	vld [tilespmem:s17+$0xC250]  }
0xbb: {  	v3 =	vadd.f32 v10, v3;
	v14 =	vmul.f32 v11, v14;
	v10 =	vld [tilespmem:s17+$0x4260]  }
0xbc: {  	v12 =	vld [tilespmem:s17+$0xC260];
	s17 =	sshra.s32 s20, $0x2  }
0xbd: {  	s20 =	sadd.s32 $0x200, s20;
	v11 =	vld [tilespmem:s17+$0x4270];
	v5 =	vadd.f32 v14, v5;
	v13 =	vmul.f32 v15, v13  }
0xbe: {  	v14 =	vld [tilespmem:s17+$0xC270]  }
0xbf: {  	v15 =	vld [tilespmem:s17+$0x4200]  }
0xc0: {  	v16 =	vld [tilespmem:s17+$0xC200]  }
0xc1: {  	v17 =	vld [tilespmem:s17+$0x4210]  }
0xc2: {  	v18 =	vld [tilespmem:s17+$0xC210]  }
0xc3: {  	v19 =	vld [tilespmem:s17+$0x4220]  }
0xc4: {  	v20 =	vld [tilespmem:s17+$0xC220]  }
0xc5: {  	v21 =	vld [tilespmem:s17+$0x4230]  }
0xc6: {  	v22 =	vld [tilespmem:s17+$0xC230]  }
0xc7: {  	v23 =	vld [tilespmem:s17+$0x4240]  }
0xc8: {  	v24 =	vld [tilespmem:s17+$0xC240]  }
0xc9: {  	v25 =	vld [tilespmem:s17+$0x4250]  }
0xca: {  	v26 =	vld [tilespmem:s17+$0xC250]  }
0xcb: {  	v27 =	vld [tilespmem:s17+$0x4260]  }
0xcc: {  	v28 =	vld [tilespmem:s17+$0xC260];
	_ =	swait.ge [sflag:s1], $0x2000  }
0xcd: {  	[sflag:s1] =	ssyncset.done $0x0  }
0xce: {  	[sflag:s1] =	ssyncadd.s32 $0xFFFFE000  }
0xcf: {  	_ =	swait.ge [sflag:s26], $0x2000  }
0xd0: {  	[sflag:s26] =	ssyncset.done $0x0  }
0xd1: {  	s20 =	simm.s32 $0x180;
	[sflag:s26] =	ssyncadd.s32 $0xFFFFE000  }
0xd2: {  	[tilespmem:s23], [sflag:$0x4] =	stream.indirect.gather [hbm4b:s2+s19], $0x80, s20, s19, $0xb8;
	[tilespmem:$0x10280] =	vst v63  }
0xd3: {  	s17 =	simm.s32 $0x0;
	s20 =	simm.s32 $0xC200  }
0xd4: {  	[tilespmem:s20], [sflag:$0x8] =	stream.linear.gather [hbm4b:s11+s17], $0x2000, $0x38;
	[tilespmem:$0x10280] =	vst v63  }
0xd5: {  	s20 =	simm.s32 $0x0  }
0xd6: {  	v29 =	vld [tilespmem:s20+$0x6270]  }
0xd7: {  	v30 =	vld [tilespmem:s20+$0xE270]  }
0xd8: {  	v31 =	vld [tilespmem:s20+$0x6200]  }
0xd9: {  	v32 =	vld [tilespmem:s20+$0xE200]  }
0xda: {  	v33 =	vld [tilespmem:s20+$0x6210]  }
0xdb: {  	v8 =	vmul.f32 v9, v8;
	v9 =	vld [tilespmem:s20+$0xE210]  }
0xdc: {  	v10 =	vmul.f32 v12, v10;
	v11 =	vmul.f32 v14, v11;
	v12 =	vld [tilespmem:s20+$0x6220]  }
0xdd: {  	v0 =	vadd.f32 v13, v0;
	v1 =	vadd.f32 v8, v1;
	v8 =	vmul.f32 v16, v15;
	v13 =	vld [tilespmem:s20+$0xE220]  }
0xde: {  	v2 =	vadd.f32 v10, v2;
	v10 =	vmul.f32 v18, v17;
	v6 =	vadd.f32 v11, v6;
	v11 =	vld [tilespmem:s20+$0x6230]  }
0xdf: {  	v14 =	vmul.f32 v22, v21;
	v60 =	vmul.f32 v26, v25;
	v7 =	vadd.f32 v8, v7;
	v15 =	vld [tilespmem:s20+$0xE230]  }
0xe0: {  	v8 =	vmul.f32 v20, v19;
	v4 =	vadd.f32 v10, v4;
	v10 =	vmul.f32 v24, v23;
	v61 =	vld [tilespmem:s20+$0x6240]  }
0xe1: {  	v5 =	vadd.f32 v14, v5;
	v14 =	vmul.f32 v28, v27;
	v1 =	vadd.f32 v60, v1;
	v62 =	vld [tilespmem:s20+$0xE240]  }
0xe2: {  	v3 =	vadd.f32 v8, v3;
	v0 =	vadd.f32 v10, v0;
	v8 =	vld [tilespmem:s20+$0x6250];
	v10 =	vmul.f32 v30, v29  }
0xe3: {  	v2 =	vadd.f32 v14, v2;
	v14 =	vmul.f32 v32, v31;
	v63 =	vmul.f32 v9, v33;
	v9 =	vld [tilespmem:s20+$0xE250]  }
0xe4: {  	v13 =	vmul.f32 v13, v12;
	v15 =	vmul.f32 v15, v11;
	v12 =	vld [tilespmem:s20+$0xE260];
	v6 =	vadd.f32 v10, v6  }
0xe5: {  	s17 =	simm.s32 $0x80;
	v10 =	vld [tilespmem:s20+$0x6260];
	v7 =	vadd.f32 v14, v7;
	v4 =	vadd.f32 v63, v4  }
0xe6: {  	v11 =	vld [tilespmem:s17+$0x6270];
	v3 =	vadd.f32 v13, v3;
	s20 =	simm.s32 $0x400;
	v5 =	vadd.f32 v15, v5;
	v13 =	vmul.f32 v62, v61  }
.LBB2_8:
0xe7: {  	p0 =	sne.s32 s20, $0x7E00;
	v14 =	vld [tilespmem:s17+$0xE270]  }
0xe8: {  	v15 =	vld [tilespmem:s17+$0x6200];
	v0 =	vadd.f32 v13, v0;
	v8 =	vmul.f32 v9, v8  }
0xe9: {  	v9 =	vld [tilespmem:s17+$0xE200]  }
0xea: {  	v13 =	vld [tilespmem:s17+$0x6210];
	v1 =	vadd.f32 v8, v1;
	v8 =	vmul.f32 v12, v10  }
0xeb: {  	v10 =	vld [tilespmem:s17+$0xE210]  }
0xec: {  	v12 =	vld [tilespmem:s17+$0x6220];
	v11 =	vmul.f32 v14, v11;
	v2 =	vadd.f32 v8, v2  }
0xed: {  	v8 =	vld [tilespmem:s17+$0xE220]  }
0xee: {  	v9 =	vmul.f32 v9, v15;
	v14 =	vld [tilespmem:s17+$0x6230];
	v6 =	vadd.f32 v11, v6  }
0xef: {  	v11 =	vld [tilespmem:s17+$0xE230]  }
0xf0: {  	v7 =	vadd.f32 v9, v7;
	v9 =	vmul.f32 v10, v13;
	v13 =	vld [tilespmem:s17+$0x6240]  }
0xf1: {  	v15 =	vld [tilespmem:s17+$0xE240]  }
.Ltmp3:
0xf2: {  	v4 =	vadd.f32 v9, v4;
	v10 =	vmul.f32 v8, v12;
	v8 =	vld [tilespmem:s17+$0x6250];
	(pc) =	sbr.rel @p0 .LBB2_8-.Ltmp3, $4  }
0xf3: {  	v9 =	vld [tilespmem:s17+$0xE250]  }
0xf4: {  	v3 =	vadd.f32 v10, v3;
	v14 =	vmul.f32 v11, v14;
	v10 =	vld [tilespmem:s17+$0x6260]  }
0xf5: {  	v12 =	vld [tilespmem:s17+$0xE260];
	s17 =	sshra.s32 s20, $0x2  }
0xf6: {  	s20 =	sadd.s32 $0x200, s20;
	v11 =	vld [tilespmem:s17+$0x6270];
	v5 =	vadd.f32 v14, v5;
	v13 =	vmul.f32 v15, v13  }
0xf7: {  	v14 =	vld [tilespmem:s17+$0xE270]  }
0xf8: {  	v15 =	vld [tilespmem:s17+$0x6200]  }
0xf9: {  	v16 =	vld [tilespmem:s17+$0xE200]  }
0xfa: {  	v17 =	vld [tilespmem:s17+$0x6210]  }
0xfb: {  	v18 =	vld [tilespmem:s17+$0xE210]  }
0xfc: {  	v19 =	vld [tilespmem:s17+$0x6220]  }
0xfd: {  	v20 =	vld [tilespmem:s17+$0xE220]  }
0xfe: {  	v21 =	vld [tilespmem:s17+$0x6230]  }
0xff: {  	v22 =	vld [tilespmem:s17+$0xE230]  }
0x100: {  	v23 =	vld [tilespmem:s17+$0x6240]  }
0x101: {  	v24 =	vld [tilespmem:s17+$0xE240]  }
0x102: {  	v25 =	vld [tilespmem:s17+$0x6250]  }
0x103: {  	v26 =	vld [tilespmem:s17+$0xE250]  }
0x104: {  	v27 =	vld [tilespmem:s17+$0x6260]  }
0x105: {  	v28 =	vld [tilespmem:s17+$0xE260];
	_ =	swait.ge [sflag:s24], $0x2000  }
0x106: {  	[sflag:s24] =	ssyncset.done $0x0  }
0x107: {  	[sflag:s24] =	ssyncadd.s32 $0xFFFFE000  }
0x108: {  	_ =	swait.ge [sflag:s25], $0x2000  }
0x109: {  	[sflag:s25] =	ssyncset.done $0x0  }
0x10a: {  	s20 =	simm.s32 $0x1C0;
	[sflag:s25] =	ssyncadd.s32 $0xFFFFE000  }
0x10b: {  	[tilespmem:s28], [sflag:$0x5] =	stream.indirect.gather [hbm4b:s2+s19], $0x80, s20, s19, $0xb8;
	[tilespmem:$0x10280] =	vst v63  }
0x10c: {  	s20 =	simm.s32 $0x0  }
0x10d: {  	[tilespmem:s29], [sflag:$0x9] =	stream.linear.gather [hbm4b:s12+s20], $0x2000, $0x38;
	[tilespmem:$0x10280] =	vst v63  }
0x10e: {  	s20 =	simm.s32 $0x0  }
0x10f: {  	v29 =	vld [tilespmem:s20+$0x270]  }
0x110: {  	v30 =	vld [tilespmem:s20+$0x8270]  }
0x111: {  	v31 =	vld [tilespmem:s20+$0x200]  }
0x112: {  	v32 =	vld [tilespmem:s20+$0x8200]  }
0x113: {  	v33 =	vld [tilespmem:s20+$0x210]  }
0x114: {  	v8 =	vmul.f32 v9, v8;
	v9 =	vld [tilespmem:s20+$0x8210]  }
0x115: {  	v10 =	vmul.f32 v12, v10;
	v11 =	vmul.f32 v14, v11;
	v12 =	vld [tilespmem:s20+$0x220]  }
0x116: {  	v0 =	vadd.f32 v13, v0;
	v1 =	vadd.f32 v8, v1;
	v8 =	vmul.f32 v16, v15;
	v13 =	vld [tilespmem:s20+$0x8220]  }
0x117: {  	v2 =	vadd.f32 v10, v2;
	v10 =	vmul.f32 v18, v17;
	v6 =	vadd.f32 v11, v6;
	v11 =	vld [tilespmem:s20+$0x230]  }
0x118: {  	v14 =	vmul.f32 v22, v21;
	v60 =	vmul.f32 v26, v25;
	v7 =	vadd.f32 v8, v7;
	v15 =	vld [tilespmem:s20+$0x8230]  }
0x119: {  	v8 =	vmul.f32 v20, v19;
	v4 =	vadd.f32 v10, v4;
	v10 =	vmul.f32 v24, v23;
	v61 =	vld [tilespmem:s20+$0x240]  }
0x11a: {  	v5 =	vadd.f32 v14, v5;
	v14 =	vmul.f32 v28, v27;
	v1 =	vadd.f32 v60, v1;
	v62 =	vld [tilespmem:s20+$0x8240]  }
0x11b: {  	v3 =	vadd.f32 v8, v3;
	v0 =	vadd.f32 v10, v0;
	v8 =	vld [tilespmem:s20+$0x250];
	v10 =	vmul.f32 v30, v29  }
0x11c: {  	v2 =	vadd.f32 v14, v2;
	v14 =	vmul.f32 v32, v31;
	v63 =	vmul.f32 v9, v33;
	v9 =	vld [tilespmem:s20+$0x8250]  }
0x11d: {  	v13 =	vmul.f32 v13, v12;
	v15 =	vmul.f32 v15, v11;
	v12 =	vld [tilespmem:s20+$0x8260];
	v6 =	vadd.f32 v10, v6  }
0x11e: {  	s17 =	simm.s32 $0x80;
	v10 =	vld [tilespmem:s20+$0x260];
	v7 =	vadd.f32 v14, v7;
	v4 =	vadd.f32 v63, v4  }
0x11f: {  	v11 =	vld [tilespmem:s17+$0x270];
	v3 =	vadd.f32 v13, v3;
	s20 =	simm.s32 $0x400;
	v5 =	vadd.f32 v15, v5;
	v13 =	vmul.f32 v62, v61  }
.LBB2_10:
0x120: {  	p0 =	sne.s32 s20, $0x7E00;
	v14 =	vld [tilespmem:s17+$0x8270]  }
0x121: {  	v15 =	vld [tilespmem:s17+$0x200];
	v0 =	vadd.f32 v13, v0;
	v8 =	vmul.f32 v9, v8  }
0x122: {  	v9 =	vld [tilespmem:s17+$0x8200]  }
0x123: {  	v13 =	vld [tilespmem:s17+$0x210];
	v1 =	vadd.f32 v8, v1;
	v8 =	vmul.f32 v12, v10  }
0x124: {  	v10 =	vld [tilespmem:s17+$0x8210]  }
0x125: {  	v12 =	vld [tilespmem:s17+$0x220];
	v11 =	vmul.f32 v14, v11;
	v2 =	vadd.f32 v8, v2  }
0x126: {  	v8 =	vld [tilespmem:s17+$0x8220]  }
0x127: {  	v9 =	vmul.f32 v9, v15;
	v14 =	vld [tilespmem:s17+$0x230];
	v6 =	vadd.f32 v11, v6  }
0x128: {  	v11 =	vld [tilespmem:s17+$0x8230]  }
0x129: {  	v7 =	vadd.f32 v9, v7;
	v9 =	vmul.f32 v10, v13;
	v13 =	vld [tilespmem:s17+$0x240]  }
0x12a: {  	v15 =	vld [tilespmem:s17+$0x8240]  }
.Ltmp4:
0x12b: {  	v4 =	vadd.f32 v9, v4;
	v10 =	vmul.f32 v8, v12;
	v8 =	vld [tilespmem:s17+$0x250];
	(pc) =	sbr.rel @p0 .LBB2_10-.Ltmp4, $4  }
0x12c: {  	v9 =	vld [tilespmem:s17+$0x8250]  }
0x12d: {  	v3 =	vadd.f32 v10, v3;
	v14 =	vmul.f32 v11, v14;
	v10 =	vld [tilespmem:s17+$0x260]  }
0x12e: {  	v12 =	vld [tilespmem:s17+$0x8260];
	s17 =	sshra.s32 s20, $0x2  }
0x12f: {  	s20 =	sadd.s32 $0x200, s20;
	v11 =	vld [tilespmem:s17+$0x270];
	v5 =	vadd.f32 v14, v5;
	v13 =	vmul.f32 v15, v13  }
0x130: {  	v14 =	vld [tilespmem:s17+$0x8270]  }
0x131: {  	v15 =	vld [tilespmem:s17+$0x200]  }
0x132: {  	v16 =	vld [tilespmem:s17+$0x8200]  }
0x133: {  	v17 =	vld [tilespmem:s17+$0x210]  }
0x134: {  	v18 =	vld [tilespmem:s17+$0x8210]  }
0x135: {  	v19 =	vld [tilespmem:s17+$0x220]  }
0x136: {  	v20 =	vld [tilespmem:s17+$0x8220]  }
0x137: {  	v21 =	vld [tilespmem:s17+$0x230]  }
0x138: {  	v22 =	vld [tilespmem:s17+$0x8230]  }
0x139: {  	v23 =	vld [tilespmem:s17+$0x240]  }
0x13a: {  	v24 =	vld [tilespmem:s17+$0x8240]  }
0x13b: {  	v25 =	vld [tilespmem:s17+$0x250]  }
0x13c: {  	v26 =	vld [tilespmem:s17+$0x8250]  }
0x13d: {  	v27 =	vld [tilespmem:s17+$0x260]  }
0x13e: {  	v28 =	vld [tilespmem:s17+$0x8260];
	_ =	swait.ge [sflag:s30], $0x2000  }
0x13f: {  	[sflag:s30] =	ssyncset.done $0x0  }
0x140: {  	[sflag:s30] =	ssyncadd.s32 $0xFFFFE000  }
0x141: {  	_ =	swait.ge [sflag:s31], $0x2000  }
0x142: {  	[sflag:s31] =	ssyncset.done $0x0  }
0x143: {  	s20 =	simm.s32 $0x0;
	[sflag:s31] =	ssyncadd.s32 $0xFFFFE000  }
0x144: {  	v29 =	vld [tilespmem:s20+$0x2270]  }
0x145: {  	v30 =	vld [tilespmem:s20+$0xA270]  }
0x146: {  	v31 =	vld [tilespmem:s20+$0x2200]  }
0x147: {  	v32 =	vld [tilespmem:s20+$0xA200]  }
0x148: {  	v33 =	vld [tilespmem:s20+$0x2210]  }
0x149: {  	v8 =	vmul.f32 v9, v8;
	v9 =	vld [tilespmem:s20+$0xA210]  }
0x14a: {  	v0 =	vadd.f32 v13, v0;
	v10 =	vmul.f32 v12, v10;
	v12 =	vld [tilespmem:s20+$0x2220]  }
0x14b: {  	v1 =	vadd.f32 v8, v1;
	v11 =	vmul.f32 v14, v11;
	v8 =	vmul.f32 v16, v15;
	v13 =	vld [tilespmem:s20+$0xA220]  }
0x14c: {  	v2 =	vadd.f32 v10, v2;
	v10 =	vmul.f32 v18, v17;
	v14 =	vmul.f32 v22, v21;
	v15 =	vld [tilespmem:s20+$0xA230]  }
0x14d: {  	v60 =	vmul.f32 v26, v25;
	v6 =	vadd.f32 v11, v6;
	v11 =	vld [tilespmem:s20+$0x2230];
	v7 =	vadd.f32 v8, v7  }
0x14e: {  	v61 =	vld [tilespmem:s20+$0x2240];
	v8 =	vmul.f32 v20, v19;
	v4 =	vadd.f32 v10, v4;
	v10 =	vmul.f32 v24, v23  }
0x14f: {  	v62 =	vld [tilespmem:s20+$0xA240];
	v5 =	vadd.f32 v14, v5;
	v14 =	vmul.f32 v28, v27;
	v1 =	vadd.f32 v60, v1  }
0x150: {  	v3 =	vadd.f32 v8, v3;
	v0 =	vadd.f32 v10, v0;
	v8 =	vld [tilespmem:s20+$0x2250];
	v10 =	vmul.f32 v30, v29  }
0x151: {  	v2 =	vadd.f32 v14, v2;
	v14 =	vmul.f32 v32, v31;
	v63 =	vmul.f32 v9, v33;
	v9 =	vld [tilespmem:s20+$0xA250]  }
0x152: {  	v13 =	vmul.f32 v13, v12;
	v12 =	vld [tilespmem:s20+$0xA260];
	v15 =	vmul.f32 v15, v11;
	v6 =	vadd.f32 v10, v6  }
0x153: {  	s17 =	simm.s32 $0x80;
	v10 =	vld [tilespmem:s20+$0x2260];
	v7 =	vadd.f32 v14, v7;
	v4 =	vadd.f32 v63, v4  }
0x154: {  	v11 =	vld [tilespmem:s17+$0x2270];
	v3 =	vadd.f32 v13, v3;
	s20 =	simm.s32 $0x400;
	v13 =	vmul.f32 v62, v61;
	v5 =	vadd.f32 v15, v5  }
.LBB2_12:
0x155: {  	p0 =	sne.s32 s20, $0x7E00;
	v14 =	vld [tilespmem:s17+$0xA270]  }
0x156: {  	v15 =	vld [tilespmem:s17+$0x2200];
	v0 =	vadd.f32 v13, v0;
	v8 =	vmul.f32 v9, v8  }
0x157: {  	v9 =	vld [tilespmem:s17+$0xA200]  }
0x158: {  	v13 =	vld [tilespmem:s17+$0x2210];
	v1 =	vadd.f32 v8, v1;
	v8 =	vmul.f32 v12, v10  }
0x159: {  	v10 =	vld [tilespmem:s17+$0xA210]  }
0x15a: {  	v12 =	vld [tilespmem:s17+$0x2220];
	v11 =	vmul.f32 v14, v11;
	v2 =	vadd.f32 v8, v2  }
0x15b: {  	v8 =	vld [tilespmem:s17+$0xA220]  }
0x15c: {  	v9 =	vmul.f32 v9, v15;
	v14 =	vld [tilespmem:s17+$0x2230];
	v6 =	vadd.f32 v11, v6  }
0x15d: {  	v11 =	vld [tilespmem:s17+$0xA230]  }
0x15e: {  	v7 =	vadd.f32 v9, v7;
	v9 =	vmul.f32 v10, v13;
	v13 =	vld [tilespmem:s17+$0x2240]  }
0x15f: {  	v15 =	vld [tilespmem:s17+$0xA240]  }
.Ltmp5:
0x160: {  	v4 =	vadd.f32 v9, v4;
	v10 =	vmul.f32 v8, v12;
	v8 =	vld [tilespmem:s17+$0x2250];
	(pc) =	sbr.rel @p0 .LBB2_12-.Ltmp5, $4  }
0x161: {  	v9 =	vld [tilespmem:s17+$0xA250]  }
0x162: {  	v3 =	vadd.f32 v10, v3;
	v14 =	vmul.f32 v11, v14;
	v10 =	vld [tilespmem:s17+$0x2260]  }
0x163: {  	v12 =	vld [tilespmem:s17+$0xA260];
	s17 =	sshra.s32 s20, $0x2  }
0x164: {  	s20 =	sadd.s32 $0x200, s20;
	v11 =	vld [tilespmem:s17+$0x2270];
	v5 =	vadd.f32 v14, v5;
	v13 =	vmul.f32 v15, v13  }
0x165: {  	v14 =	vld [tilespmem:s17+$0xA270]  }
0x166: {  	v15 =	vld [tilespmem:s17+$0x2200]  }
0x167: {  	v16 =	vld [tilespmem:s17+$0xA200]  }
0x168: {  	v17 =	vld [tilespmem:s17+$0x2210]  }
0x169: {  	v18 =	vld [tilespmem:s17+$0xA210]  }
0x16a: {  	v19 =	vld [tilespmem:s17+$0x2220]  }
0x16b: {  	v20 =	vld [tilespmem:s17+$0xA220]  }
0x16c: {  	v21 =	vld [tilespmem:s17+$0x2230]  }
0x16d: {  	v22 =	vld [tilespmem:s17+$0xA230]  }
0x16e: {  	v23 =	vld [tilespmem:s17+$0x2240]  }
0x16f: {  	v24 =	vld [tilespmem:s17+$0xA240]  }
0x170: {  	v25 =	vld [tilespmem:s17+$0x2250]  }
0x171: {  	v26 =	vld [tilespmem:s17+$0xA250]  }
0x172: {  	v27 =	vld [tilespmem:s17+$0x2260]  }
0x173: {  	v28 =	vld [tilespmem:s17+$0xA260];
	_ =	swait.ge [sflag:s0], $0x2000  }
0x174: {  	[sflag:s0] =	ssyncset.done $0x0  }
0x175: {  	[sflag:s0] =	ssyncadd.s32 $0xFFFFE000  }
0x176: {  	_ =	swait.ge [sflag:s22], $0x2000  }
0x177: {  	[sflag:s22] =	ssyncset.done $0x0  }
0x178: {  	s20 =	simm.s32 $0x0;
	[sflag:s22] =	ssyncadd.s32 $0xFFFFE000  }
0x179: {  	v29 =	vld [tilespmem:s20+$0x4270]  }
0x17a: {  	v30 =	vld [tilespmem:s20+$0xC270]  }
0x17b: {  	v31 =	vld [tilespmem:s20+$0x4200]  }
0x17c: {  	v32 =	vld [tilespmem:s20+$0xC200]  }
0x17d: {  	v33 =	vld [tilespmem:s20+$0x4210]  }
0x17e: {  	v8 =	vmul.f32 v9, v8;
	v9 =	vld [tilespmem:s20+$0xC210]  }
0x17f: {  	v0 =	vadd.f32 v13, v0;
	v10 =	vmul.f32 v12, v10;
	v12 =	vld [tilespmem:s20+$0x4220]  }
0x180: {  	v1 =	vadd.f32 v8, v1;
	v11 =	vmul.f32 v14, v11;
	v8 =	vmul.f32 v16, v15;
	v13 =	vld [tilespmem:s20+$0xC220]  }
0x181: {  	v2 =	vadd.f32 v10, v2;
	v10 =	vmul.f32 v18, v17;
	v14 =	vmul.f32 v22, v21;
	v15 =	vld [tilespmem:s20+$0xC230]  }
0x182: {  	v60 =	vmul.f32 v26, v25;
	v6 =	vadd.f32 v11, v6;
	v11 =	vld [tilespmem:s20+$0x4230];
	v7 =	vadd.f32 v8, v7  }
0x183: {  	v61 =	vld [tilespmem:s20+$0x4240];
	v8 =	vmul.f32 v20, v19;
	v4 =	vadd.f32 v10, v4;
	v10 =	vmul.f32 v24, v23  }
0x184: {  	v62 =	vld [tilespmem:s20+$0xC240];
	v5 =	vadd.f32 v14, v5;
	v14 =	vmul.f32 v28, v27;
	v1 =	vadd.f32 v60, v1  }
0x185: {  	v3 =	vadd.f32 v8, v3;
	v0 =	vadd.f32 v10, v0;
	v8 =	vld [tilespmem:s20+$0x4250];
	v10 =	vmul.f32 v30, v29  }
0x186: {  	v2 =	vadd.f32 v14, v2;
	v14 =	vmul.f32 v32, v31;
	v63 =	vmul.f32 v9, v33;
	v9 =	vld [tilespmem:s20+$0xC250]  }
0x187: {  	v13 =	vmul.f32 v13, v12;
	v12 =	vld [tilespmem:s20+$0xC260];
	v15 =	vmul.f32 v15, v11;
	v6 =	vadd.f32 v10, v6  }
0x188: {  	s17 =	simm.s32 $0x80;
	v10 =	vld [tilespmem:s20+$0x4260];
	v7 =	vadd.f32 v14, v7;
	v4 =	vadd.f32 v63, v4  }
0x189: {  	v11 =	vld [tilespmem:s17+$0x4270];
	v3 =	vadd.f32 v13, v3;
	s20 =	simm.s32 $0x400;
	v13 =	vmul.f32 v62, v61;
	v5 =	vadd.f32 v15, v5  }
.LBB2_14:
0x18a: {  	p0 =	sne.s32 s20, $0x7E00;
	v14 =	vld [tilespmem:s17+$0xC270]  }
0x18b: {  	v15 =	vld [tilespmem:s17+$0x4200];
	v0 =	vadd.f32 v13, v0;
	v8 =	vmul.f32 v9, v8  }
0x18c: {  	v9 =	vld [tilespmem:s17+$0xC200]  }
0x18d: {  	v13 =	vld [tilespmem:s17+$0x4210];
	v1 =	vadd.f32 v8, v1;
	v8 =	vmul.f32 v12, v10  }
0x18e: {  	v10 =	vld [tilespmem:s17+$0xC210]  }
0x18f: {  	v12 =	vld [tilespmem:s17+$0x4220];
	v11 =	vmul.f32 v14, v11;
	v2 =	vadd.f32 v8, v2  }
0x190: {  	v8 =	vld [tilespmem:s17+$0xC220]  }
0x191: {  	v9 =	vmul.f32 v9, v15;
	v14 =	vld [tilespmem:s17+$0x4230];
	v6 =	vadd.f32 v11, v6  }
0x192: {  	v11 =	vld [tilespmem:s17+$0xC230]  }
0x193: {  	v7 =	vadd.f32 v9, v7;
	v9 =	vmul.f32 v10, v13;
	v13 =	vld [tilespmem:s17+$0x4240]  }
0x194: {  	v15 =	vld [tilespmem:s17+$0xC240]  }
.Ltmp6:
0x195: {  	v4 =	vadd.f32 v9, v4;
	v10 =	vmul.f32 v8, v12;
	v8 =	vld [tilespmem:s17+$0x4250];
	(pc) =	sbr.rel @p0 .LBB2_14-.Ltmp6, $4  }
0x196: {  	v9 =	vld [tilespmem:s17+$0xC250]  }
0x197: {  	v3 =	vadd.f32 v10, v3;
	v14 =	vmul.f32 v11, v14;
	v10 =	vld [tilespmem:s17+$0x4260]  }
0x198: {  	v12 =	vld [tilespmem:s17+$0xC260];
	s17 =	sshra.s32 s20, $0x2  }
0x199: {  	s20 =	sadd.s32 $0x200, s20;
	v11 =	vld [tilespmem:s17+$0x4270];
	v5 =	vadd.f32 v14, v5;
	v13 =	vmul.f32 v15, v13  }
0x19a: {  	v14 =	vld [tilespmem:s17+$0xC270]  }
0x19b: {  	v15 =	vld [tilespmem:s17+$0x4200]  }
0x19c: {  	v16 =	vld [tilespmem:s17+$0xC200]  }
0x19d: {  	v17 =	vld [tilespmem:s17+$0x4210]  }
0x19e: {  	v18 =	vld [tilespmem:s17+$0xC210]  }
0x19f: {  	v19 =	vld [tilespmem:s17+$0x4220]  }
0x1a0: {  	v20 =	vld [tilespmem:s17+$0xC220]  }
0x1a1: {  	v21 =	vld [tilespmem:s17+$0x4230]  }
0x1a2: {  	v22 =	vld [tilespmem:s17+$0xC230]  }
0x1a3: {  	v23 =	vld [tilespmem:s17+$0x4240]  }
0x1a4: {  	v24 =	vld [tilespmem:s17+$0xC240]  }
0x1a5: {  	v25 =	vld [tilespmem:s17+$0x4250]  }
0x1a6: {  	v26 =	vld [tilespmem:s17+$0xC250]  }
0x1a7: {  	v27 =	vld [tilespmem:s17+$0x4260]  }
0x1a8: {  	v28 =	vld [tilespmem:s17+$0xC260];
	_ =	swait.ge [sflag:s1], $0x2000  }
0x1a9: {  	[sflag:s1] =	ssyncset.done $0x0  }
0x1aa: {  	[sflag:s1] =	ssyncadd.s32 $0xFFFFE000  }
0x1ab: {  	_ =	swait.ge [sflag:s26], $0x2000  }
0x1ac: {  	[sflag:s26] =	ssyncset.done $0x0  }
0x1ad: {  	s20 =	simm.s32 $0x0;
	[sflag:s26] =	ssyncadd.s32 $0xFFFFE000  }
0x1ae: {  	v29 =	vld [tilespmem:s20+$0x6270]  }
0x1af: {  	v30 =	vld [tilespmem:s20+$0xE270]  }
0x1b0: {  	v31 =	vld [tilespmem:s20+$0x6200]  }
0x1b1: {  	v32 =	vld [tilespmem:s20+$0xE200]  }
0x1b2: {  	v33 =	vld [tilespmem:s20+$0x6210]  }
0x1b3: {  	v8 =	vmul.f32 v9, v8;
	v34 =	vld [tilespmem:s20+$0xE210]  }
0x1b4: {  	v0 =	vadd.f32 v13, v0;
	v9 =	vmul.f32 v12, v10;
	v12 =	vld [tilespmem:s20+$0x6220]  }
0x1b5: {  	v1 =	vadd.f32 v8, v1;
	v10 =	vmul.f32 v14, v11;
	v8 =	vmul.f32 v16, v15;
	v13 =	vld [tilespmem:s20+$0xE220]  }
0x1b6: {  	v11 =	vadd.f32 v9, v2;
	v2 =	vmul.f32 v18, v17;
	v9 =	vmul.f32 v22, v21;
	v14 =	vld [tilespmem:s20+$0xE230]  }
0x1b7: {  	v6 =	vadd.f32 v10, v6;
	v10 =	vld [tilespmem:s20+$0x6230];
	v7 =	vadd.f32 v8, v7;
	v8 =	vmul.f32 v20, v19  }
0x1b8: {  	v15 =	vmul.f32 v26, v25;
	v61 =	vld [tilespmem:s20+$0x6240];
	v4 =	vadd.f32 v2, v4;
	v2 =	vmul.f32 v24, v23  }
0x1b9: {  	v63 =	vld [tilespmem:s20+$0xE240];
	v62 =	vadd.f32 v9, v5;
	v5 =	vmul.f32 v28, v27;
	v8 =	vadd.f32 v8, v3  }
0x1ba: {  	v9 =	vld [tilespmem:s20+$0x6250];
	v3 =	vadd.f32 v2, v0;
	v2 =	vadd.f32 v15, v1;
	v0 =	vmul.f32 v30, v29  }
0x1bb: {  	v1 =	vadd.f32 v5, v11;
	v11 =	vld [tilespmem:s20+$0xE250];
	v5 =	vmul.f32 v32, v31;
	v15 =	vmul.f32 v34, v33  }
0x1bc: {  	v13 =	vmul.f32 v13, v12;
	v12 =	vld [tilespmem:s20+$0xE260];
	v14 =	vmul.f32 v14, v10;
	v0 =	vadd.f32 v0, v6  }
0x1bd: {  	s17 =	simm.s32 $0x80;
	v10 =	vld [tilespmem:s20+$0x6260];
	v6 =	vadd.f32 v5, v7;
	v7 =	vadd.f32 v15, v4  }
0x1be: {  	s20 =	simm.s32 $0x400;
	v5 =	vadd.f32 v13, v8;
	v8 =	vld [tilespmem:s17+$0x6270];
	v13 =	vmul.f32 v63, v61;
	v4 =	vadd.f32 v14, v62  }
.LBB2_16:
0x1bf: {  	p0 =	sne.s32 s20, $0x7E00;
	v14 =	vld [tilespmem:s17+$0xE270]  }
0x1c0: {  	v15 =	vld [tilespmem:s17+$0x6200];
	v3 =	vadd.f32 v13, v3;
	v9 =	vmul.f32 v11, v9  }
0x1c1: {  	v11 =	vld [tilespmem:s17+$0xE200]  }
0x1c2: {  	v13 =	vld [tilespmem:s17+$0x6210];
	v2 =	vadd.f32 v9, v2;
	v9 =	vmul.f32 v12, v10  }
0x1c3: {  	v10 =	vld [tilespmem:s17+$0xE210]  }
0x1c4: {  	v12 =	vld [tilespmem:s17+$0x6220];
	v8 =	vmul.f32 v14, v8;
	v1 =	vadd.f32 v9, v1  }
0x1c5: {  	v9 =	vld [tilespmem:s17+$0xE220]  }
0x1c6: {  	v11 =	vmul.f32 v11, v15;
	v14 =	vld [tilespmem:s17+$0x6230];
	v0 =	vadd.f32 v8, v0  }
0x1c7: {  	v8 =	vld [tilespmem:s17+$0xE230]  }
0x1c8: {  	v6 =	vadd.f32 v11, v6;
	v10 =	vmul.f32 v10, v13;
	v13 =	vld [tilespmem:s17+$0x6240]  }
0x1c9: {  	v15 =	vld [tilespmem:s17+$0xE240]  }
.Ltmp7:
0x1ca: {  	v7 =	vadd.f32 v10, v7;
	v10 =	vmul.f32 v9, v12;
	v9 =	vld [tilespmem:s17+$0x6250];
	(pc) =	sbr.rel @p0 .LBB2_16-.Ltmp7, $4  }
0x1cb: {  	v11 =	vld [tilespmem:s17+$0xE250]  }
0x1cc: {  	v5 =	vadd.f32 v10, v5;
	v14 =	vmul.f32 v8, v14;
	v10 =	vld [tilespmem:s17+$0x6260]  }
0x1cd: {  	v12 =	vld [tilespmem:s17+$0xE260];
	s17 =	sshra.s32 s20, $0x2  }
0x1ce: {  	s20 =	sadd.s32 $0x200, s20;
	v8 =	vld [tilespmem:s17+$0x6270];
	v4 =	vadd.f32 v14, v4;
	v13 =	vmul.f32 v15, v13  }
0x1cf: {  	v14 =	vld [tilespmem:s17+$0x6200]  }
0x1d0: {  	v15 =	vld [tilespmem:s17+$0xE200]  }
0x1d1: {  	v16 =	vld [tilespmem:s17+$0x6210]  }
0x1d2: {  	v17 =	vld [tilespmem:s17+$0xE210]  }
0x1d3: {  	v18 =	vld [tilespmem:s17+$0x6220]  }
0x1d4: {  	v19 =	vld [tilespmem:s17+$0xE220]  }
0x1d5: {  	v20 =	vld [tilespmem:s17+$0x6230]  }
0x1d6: {  	v21 =	vld [tilespmem:s17+$0xE230]  }
0x1d7: {  	v50 =	vld [tilespmem:s17+$0x6240];
	v14 =	vmul.f32 v15, v14;
	v49 =	vmul.f32 v17, v16  }
0x1d8: {  	v51 =	vld [tilespmem:s17+$0xE240]  }
0x1d9: {  	v53 =	vld [tilespmem:s17+$0x6250];
	v52 =	vmul.f32 v19, v18;
	v6 =	vadd.f32 v14, v6;
	v7 =	vadd.f32 v49, v7  }
0x1da: {  	v54 =	vld [tilespmem:s17+$0xE250]  }
0x1db: {  	v56 =	vld [tilespmem:s17+$0x6260];
	v55 =	vmul.f32 v21, v20;
	v5 =	vadd.f32 v52, v5;
	v6 =	vadd.f32 v7, v6  }
0x1dc: {  	v57 =	vld [tilespmem:s17+$0xE260];
	v3 =	vadd.f32 v13, v3;
	v9 =	vmul.f32 v11, v9  }
0x1dd: {  	v58 =	vmul.f32 v51, v50;
	v4 =	vadd.f32 v55, v4;
	v5 =	vadd.f32 v5, v6  }
0x1de: {  	v59 =	vld [tilespmem:s17+$0xE270];
	v2 =	vadd.f32 v9, v2;
	v60 =	vmul.f32 v12, v10  }
0x1df: {  	v61 =	vmul.f32 v54, v53;
	v3 =	vadd.f32 v58, v3;
	v4 =	vadd.f32 v4, v5  }
0x1e0: {  	v1 =	vadd.f32 v60, v1  }
0x1e1: {  	v62 =	vmul.f32 v57, v56;
	v2 =	vadd.f32 v61, v2;
	v3 =	vadd.f32 v3, v4;
	_ =	sdelay $0x1  }
0x1e2: {  	v63 =	vmul.f32 v59, v8;
	v1 =	vadd.f32 v62, v1;
	v2 =	vadd.f32 v2, v3;
	_ =	sdelay $0x1  }
0x1e3: {  	v0 =	vadd.f32 v63, v0;
	v1 =	vadd.f32 v1, v2;
	_ =	sdelay $0x1  }
0x1e4: {  	s16 =	sadd.s32 $0x1, s16;
	v0 =	vadd.f32 v0, v1  }
0x1e5: {  	p0 =	sne.s32 s16, s14  }
.Ltmp8:
0x1e6: {  	s20 =	simm.s32 $0x10200;
	[tilespmem:$0x10200] =	vst v0;
	(pc) =	sbr.rel @p0 .LBB2_1-.Ltmp8, $4  }
0x1e7: {  	[hbm4b:s13+s3] =	stream.linear.scatter [tilespmem:s20], [sflag:$0xA], $0x80, $0x38;
	[tilespmem:$0x10280] =	vst v63  }
0x1e8: {  	_ =	swait.ge [sflag:s15], $0x80  }
0x1e9: {  	[sflag:s15] =	ssyncset.done $0x0  }
0x1ea: {  	[sflag:s15] =	ssyncadd.s32 $0xFFFFFF80  }
0x1eb: {  	_ =	sfence.sel $0x180000  }
0x1ec: {  	[bflag:$0x0] =	sbarrier.arrive $0xFFFF  }
0x1ed: {  	_ =	strace $0x90000047  }
0x1ee: {  	s0 =	stileid.u32;
	[bflag:$0x2] =	sbarrier.arrive $0xFFFF  }
0x1ef: {  	p0 =	sne.s32 s0, $0x0;
	s0 =	rddreg [dreg:$0x4]  }
0x1f0: {  	s0 =	sadd.s32 @!p0 $0x100000, s0  }
0x1f1: {  	[sflag:s0] =	ssyncadd.tile.s32 @!p0 $0x1;
	_ =	shalt  }
.Lfunc_end2:
_tile_overlayer_lowered:
.L_overlay_start_2:
0x1f2: {  	(tag) =	ssettag $0x2  }
0x1f3: {  	s0 =	rddreg [dreg:$0x0];
	s2 =	stileid.u32  }
0x1f4: {  	s1 =	rddreg [dreg:$0x1];
	p0 =	sne.s32 s2, $0x0  }
0x1f5: {  	s3 =	rddreg [dreg:$0x2];
	[bflag:$0x3] =	sbarrier.arrive $0xFFFF;
	s2 =	simm.s32 @!p0 $0x1C0A  }
0x1f6: {  	[timem:s3], [sflag:s2] =	dma.local @!p0 [hbm:s0], s1  }
0x1f7: {  	s0 =	simm.s32 @!p0 $0xA  }
0x1f8: {  	_ =	swait.ge @!p0 [sflag:s0], s1  }
0x1f9: {  	s1 =	ssub.s32 @!p0 $0x0, s1;
	[sflag:s0] =	ssyncset.done @!p0 $0x0  }
0x1fa: {  	[sflag:s0] =	ssyncadd.s32 @!p0 s1  }
0x1fb: {  	[bflag:$0x3] =	sbarrier.arrive $0xFFFF  }
0x1fc: {  	_ =	shalt  }

</sc_bundles>
